<compile_context>
chip_gen: v7x
topology: tpu7x:2x2x1
jax: 0.10.2.dev20260603
libtpu: 0.0.44.dev20260713+nightly
codegen_flags: <defaults>
</compile_context>

<pallas_src>
import functools

import jax
import jax.numpy as jnp
from jax import lax
from jax.experimental import pallas as pl
from jax.experimental.pallas import tpu as pltpu
from jax.experimental.pallas import tpu_sc as plsc

NC = 2
NS = 16
CHUNK = 128
SPLIT = 2



def _mlp_body(x_ref, w_ref, b_ref, o_ref):
    o_ref[...] = jnp.maximum(
        jnp.dot(x_ref[...], w_ref[...], preferred_element_type=jnp.float32)
        + b_ref[...],
        0.0,
    )


def _mlp(x2d, W, b):
    M, D = x2d.shape
    BM = 2000
    assert M % BM == 0
    return pl.pallas_call(
        _mlp_body,
        grid=(M // BM,),
        in_specs=[
            pl.BlockSpec((BM, D), lambda i: (i, 0)),
            pl.BlockSpec((D, D), lambda i: (0, 0)),
            pl.BlockSpec((1, D), lambda i: (0, 0)),
        ],
        out_specs=pl.BlockSpec((BM, D), lambda i: (i, 0)),
        out_shape=jax.ShapeDtypeStruct((M, D), jnp.float32),
    )(x2d, W, b.reshape(1, D))



@functools.partial(jax.jit, static_argnames=("B", "N", "D", "E_pad", "N_pad"))
def _sc_scatter(tx2d, src_g, dst_p, *, B, N, D, E_pad, N_pad):
    per_tile = E_pad // NS
    n_chunks = per_tile // CHUNK
    n_blocks = 4
    blk = n_chunks // n_blocks
    n_half = blk // 2
    rows_per_tile = N_pad // NS
    out_rows = (N // NS) // 8 * 8
    out_rem = N - out_rows * NS
    b_per_core = B // NC

    mesh = plsc.VectorSubcoreMesh(
        core_axis_name="c", subcore_axis_name="s",
        num_cores=NC, num_subcores=NS,
    )

    @functools.partial(
        pl.kernel,
        out_type=jax.ShapeDtypeStruct((B * N, D), jnp.float32),
        mesh=mesh,
        scratch_types=[
            pltpu.VMEM((blk, CHUNK), jnp.int32),
            pltpu.VMEM((blk, CHUNK), jnp.int32),
            pltpu.VMEM((CHUNK, D), jnp.float32),
            pltpu.VMEM((CHUNK, D), jnp.float32),
            pltpu.VMEM((16, D), jnp.float32),
            pltpu.VMEM_SHARED((N_pad, D), jnp.float32),
            pltpu.SemaphoreType.DMA,
            pltpu.SemaphoreType.DMA,
        ],
    )
    def sc_kernel(tx_hbm, srcg_hbm, dst_hbm, out_hbm,
                  src_blk, dst_blk, rows_a, rows_b, zeros_v, acc_sh,
                  gsem_a, gsem_b):
        c = lax.axis_index("c")
        s = lax.axis_index("s")

        zero16 = jnp.zeros((16,), jnp.float32)

        def zrow(i, carry):
            for j in range(D // 16):
                zeros_v[i, pl.ds(j * 16, 16)] = zero16
            return carry

        lax.fori_loop(0, 16, zrow, 0)

        for bi in range(b_per_core):
            b = c * b_per_core + bi

            def clr(j, carry):
                pltpu.sync_copy(
                    zeros_v,
                    acc_sh.at[pl.ds(s * rows_per_tile + j * 16, 16)])
                return carry

            lax.fori_loop(0, rows_per_tile // 16, clr, 0)
            plsc.subcore_barrier()

            def gather_chunk(g, rows, sem):
                for q in range(SPLIT):
                    lo = q * (CHUNK // SPLIT)
                    pltpu.async_copy(
                        tx_hbm.at[src_blk.at[g, pl.ds(lo, CHUNK // SPLIT)]],
                        rows.at[pl.ds(lo, CHUNK // SPLIT)], sem)

            def wait_chunk(g, rows, sem):
                for q in range(SPLIT):
                    lo = q * (CHUNK // SPLIT)
                    pltpu.make_async_copy(
                        tx_hbm.at[src_blk.at[g, pl.ds(lo, CHUNK // SPLIT)]],
                        rows.at[pl.ds(lo, CHUNK // SPLIT)], sem).wait()

            def block_body(k, carry):
                pltpu.sync_copy(srcg_hbm.at[b * NS + s, k], src_blk)
                pltpu.sync_copy(dst_hbm.at[s, k], dst_blk)

                gather_chunk(0, rows_a, gsem_a)

                def chunk_pair(i, carry):
                    ga = 2 * i
                    gb = ga + 1
                    gather_chunk(gb, rows_b, gsem_b)
                    wait_chunk(ga, rows_a, gsem_a)
                    pltpu.sync_copy(rows_a, acc_sh.at[dst_blk.at[ga]],
                                    add=True)

                    @pl.when(i + 1 < n_half)
                    def _():
                        gather_chunk(ga + 2, rows_a, gsem_a)

                    wait_chunk(gb, rows_b, gsem_b)
                    pltpu.sync_copy(rows_b, acc_sh.at[dst_blk.at[gb]],
                                    add=True)
                    return carry

                lax.fori_loop(0, n_half, chunk_pair, 0)
                return carry

            lax.fori_loop(0, n_blocks, block_body, 0)
            plsc.subcore_barrier()

            row_lo = s * out_rows
            pltpu.sync_copy(acc_sh.at[pl.ds(row_lo, out_rows)],
                            out_hbm.at[pl.ds(b * N + row_lo, out_rows)])
            if out_rem:
                @pl.when(s == NS - 1)
                def _():
                    lo = out_rows * NS
                    pltpu.sync_copy(
                        acc_sh.at[pl.ds(lo, out_rem)],
                        out_hbm.at[pl.ds(b * N + lo, out_rem)])
            plsc.subcore_barrier()

    return sc_kernel(tx2d, src_g, dst_p)



def kernel(X, edge_index, W, b):
    B, N, D = X.shape
    E = edge_index.shape[1]
    grain = NS * CHUNK * 8
    E_pad = ((E + grain - 1) // grain) * grain
    N_pad = ((N + 1 + NS * 16 - 1) // (NS * 16)) * (NS * 16)

    src = edge_index[0]
    dst = edge_index[1]
    pad = E_pad - E
    if pad:
        src = jnp.concatenate([src, jnp.zeros((pad,), jnp.int32)])
        dst = jnp.concatenate([dst, jnp.full((pad,), N, jnp.int32)])
    n_chunks = E_pad // NS // CHUNK
    src_g = (src[None, :]
             + (jnp.arange(B, dtype=jnp.int32) * N)[:, None])
    src_g = src_g.reshape(B * NS, 4, n_chunks // 4, CHUNK)
    dst3d = dst.reshape(NS, 4, n_chunks // 4, CHUNK)

    tx = _mlp(X.reshape(B * N, D), W, b)
    out2d = _sc_scatter(tx, src_g, dst3d, B=B, N=N, D=D,
                        E_pad=E_pad, N_pad=N_pad)
    return out2d.reshape(B, N, D)

# --- scband reference (transcript-rebuilt; emitter-appended) ---
"""Pipeline reference for scband-ngnnconv-78572131713430 (READ-ONLY COPY).

The authoritative reference and input builder live on the scoring server;
editing this copy changes nothing except your own understanding.
"""

import jax, jax.numpy as jnp
import numpy as np


def setup_inputs(seed: int = 0) -> dict:
    key = jax.random.key(seed)
    k1, k2, k3 = jax.random.split(key, 3)
    B, N, E, D = 4, 10000, 160000, 128
    X = jax.random.normal(k1, (B, N, D), dtype=jnp.float32)
    edge_index = jax.random.randint(k2, (2, E), 0, N, dtype=jnp.int32)
    # MLP (single linear layer + relu) parameters, indim=outdim=128
    W = jax.random.normal(k3, (D, D), dtype=jnp.float32) * (1.0 / np.sqrt(D))
    b = jnp.zeros((D,), dtype=jnp.float32)
    return {"X": X, "edge_index": edge_index, "W": W, "b": b}


def reference(X, edge_index, W, b):
    # tX = X.tuplewiseapply(self.lin): apply MLP to every (subgraph, node) tuple feature
    tX = jax.nn.relu(jnp.dot(X, W) + b)  # [B, N, D]
    # OpMessagePassingOnSubg2D with aggr='sum': message passing within each subgraph
    # using the (shared) adjacency A given as edge_index.
    src = edge_index[0]
    dst = edge_index[1]
    msgs = tX[:, src, :]                       # gather: [B, E, D]
    msgs = jnp.transpose(msgs, (1, 0, 2))      # [E, B, D]
    agg = jax.ops.segment_sum(msgs, dst, num_segments=X.shape[1])  # scatter-add: [N, B, D]
    ret = jnp.transpose(agg, (1, 0, 2))        # [B, N, D]
    return ret

if __name__ == "__main__":
    import jax
    _d = setup_inputs()
    print(jax.jit(kernel)(*tuple(_d.values())))

</pallas_src>

<mosaic_0001>
#map = affine_map<(d0, d1) -> (0, 0)>
#map1 = affine_map<(d0, d1) -> (0, 0, 0, 0)>
module attributes {stable_mosaic.version = 14 : i64} {
  func.func @sc_kernel(%arg0: i32, %arg1: i32, %arg2: memref<40000x128xf32, #tpu.memory_space<hbm>>, %arg3: memref<64x4x20x128xi32, #tpu.memory_space<hbm>>, %arg4: memref<16x4x20x128xi32, #tpu.memory_space<hbm>>, %arg5: memref<40000x128xf32, #tpu.memory_space<hbm>>, %arg6: memref<20x128xi32, #tpu.memory_space<vmem>>, %arg7: memref<20x128xi32, #tpu.memory_space<vmem>>, %arg8: memref<128x128xf32, #tpu.memory_space<vmem>>, %arg9: memref<128x128xf32, #tpu.memory_space<vmem>>, %arg10: memref<16x128xf32, #tpu.memory_space<vmem>>, %arg11: memref<10240x128xf32, #tpu.memory_space<vmem_shared>>, %arg12: memref<!tpu.dma_semaphore, #tpu.memory_space<semaphore_mem>>, %arg13: memref<!tpu.dma_semaphore, #tpu.memory_space<semaphore_mem>>) attributes {dimension_semantics = [#tpu.dimension_semantics<core_parallel>, #tpu.dimension_semantics<subcore_parallel>], iteration_bounds = array<i64: 2, 16>, scalar_prefetch = 0 : i64, scratch_operands = 8 : i64, tpu.core_type = #tpu.core_type<sc_vector_subcore>, window_params = [{transform_indices = #map}, {transform_indices = #map1}, {transform_indices = #map1}, {transform_indices = #map}]} {
    %broadcast_in_dim3A = arith.constant 0.000000e+00 : f32
    %broadcast_in_dim3A_0 = vector.broadcast %broadcast_in_dim3A : f32 to vector<16xf32>
    %scan3A = arith.constant 0 : i32
    %scan3A_1 = arith.constant 0 : i32
    %scan3A_2 = arith.constant 16 : i32
    %scan3A_3 = arith.addi %scan3A_1, %scan3A_2 : i32
    %scan3A_4 = arith.constant 1 : i32
    scf.for %scan3A_58 = %scan3A_1 to %scan3A_3 step %scan3A_4  : i32 {
      %swap3A = arith.index_cast %scan3A_58 : i32 to index
      %swap3A_59 = arith.constant 0 : index
      %swap3A_60 = tpu.vector_load %arg10[%swap3A, %swap3A_59] {strides = array<i32>} : memref<16x128xf32, #tpu.memory_space<vmem>>, vector<1x16xf32>,
      %swap3A_61 = vector.shape_cast %swap3A_60 : vector<1x16xf32> to vector<16xf32>
      %swap3A_62 = vector.shape_cast %broadcast_in_dim3A_0 : vector<16xf32> to vector<1x16xf32>
      tpu.vector_store %arg10[%swap3A, %swap3A_59], %swap3A_62 {strides = array<i32>} : memref<16x128xf32, #tpu.memory_space<vmem>>, vector<1x16xf32>,
      %swap3A_63 = arith.index_cast %scan3A_58 : i32 to index
      %swap3A_64 = arith.constant 16 : index
      %swap3A_65 = tpu.vector_load %arg10[%swap3A_63, %swap3A_64] {strides = array<i32>} : memref<16x128xf32, #tpu.memory_space<vmem>>, vector<1x16xf32>,
      %swap3A_66 = vector.shape_cast %swap3A_65 : vector<1x16xf32> to vector<16xf32>
      %swap3A_67 = vector.shape_cast %broadcast_in_dim3A_0 : vector<16xf32> to vector<1x16xf32>
      tpu.vector_store %arg10[%swap3A_63, %swap3A_64], %swap3A_67 {strides = array<i32>} : memref<16x128xf32, #tpu.memory_space<vmem>>, vector<1x16xf32>,
      %swap3A_68 = arith.index_cast %scan3A_58 : i32 to index
      %swap3A_69 = arith.constant 32 : index
      %swap3A_70 = tpu.vector_load %arg10[%swap3A_68, %swap3A_69] {strides = array<i32>} : memref<16x128xf32, #tpu.memory_space<vmem>>, vector<1x16xf32>,
      %swap3A_71 = vector.shape_cast %swap3A_70 : vector<1x16xf32> to vector<16xf32>
      %swap3A_72 = vector.shape_cast %broadcast_in_dim3A_0 : vector<16xf32> to vector<1x16xf32>
      tpu.vector_store %arg10[%swap3A_68, %swap3A_69], %swap3A_72 {strides = array<i32>} : memref<16x128xf32, #tpu.memory_space<vmem>>, vector<1x16xf32>,
      %swap3A_73 = arith.index_cast %scan3A_58 : i32 to index
      %swap3A_74 = arith.constant 48 : index
      %swap3A_75 = tpu.vector_load %arg10[%swap3A_73, %swap3A_74] {strides = array<i32>} : memref<16x128xf32, #tpu.memory_space<vmem>>, vector<1x16xf32>,
      %swap3A_76 = vector.shape_cast %swap3A_75 : vector<1x16xf32> to vector<16xf32>
      %swap3A_77 = vector.shape_cast %broadcast_in_dim3A_0 : vector<16xf32> to vector<1x16xf32>
      tpu.vector_store %arg10[%swap3A_73, %swap3A_74], %swap3A_77 {strides = array<i32>} : memref<16x128xf32, #tpu.memory_space<vmem>>, vector<1x16xf32>,
      %swap3A_78 = arith.index_cast %scan3A_58 : i32 to index
      %swap3A_79 = arith.constant 64 : index
      %swap3A_80 = tpu.vector_load %arg10[%swap3A_78, %swap3A_79] {strides = array<i32>} : memref<16x128xf32, #tpu.memory_space<vmem>>, vector<1x16xf32>,
      %swap3A_81 = vector.shape_cast %swap3A_80 : vector<1x16xf32> to vector<16xf32>
      %swap3A_82 = vector.shape_cast %broadcast_in_dim3A_0 : vector<16xf32> to vector<1x16xf32>
      tpu.vector_store %arg10[%swap3A_78, %swap3A_79], %swap3A_82 {strides = array<i32>} : memref<16x128xf32, #tpu.memory_space<vmem>>, vector<1x16xf32>,
      %swap3A_83 = arith.index_cast %scan3A_58 : i32 to index
      %swap3A_84 = arith.constant 80 : index
      %swap3A_85 = tpu.vector_load %arg10[%swap3A_83, %swap3A_84] {strides = array<i32>} : memref<16x128xf32, #tpu.memory_space<vmem>>, vector<1x16xf32>,
      %swap3A_86 = vector.shape_cast %swap3A_85 : vector<1x16xf32> to vector<16xf32>
      %swap3A_87 = vector.shape_cast %broadcast_in_dim3A_0 : vector<16xf32> to vector<1x16xf32>
      tpu.vector_store %arg10[%swap3A_83, %swap3A_84], %swap3A_87 {strides = array<i32>} : memref<16x128xf32, #tpu.memory_space<vmem>>, vector<1x16xf32>,
      %swap3A_88 = arith.index_cast %scan3A_58 : i32 to index
      %swap3A_89 = arith.constant 96 : index
      %swap3A_90 = tpu.vector_load %arg10[%swap3A_88, %swap3A_89] {strides = array<i32>} : memref<16x128xf32, #tpu.memory_space<vmem>>, vector<1x16xf32>,
      %swap3A_91 = vector.shape_cast %swap3A_90 : vector<1x16xf32> to vector<16xf32>
      %swap3A_92 = vector.shape_cast %broadcast_in_dim3A_0 : vector<16xf32> to vector<1x16xf32>
      tpu.vector_store %arg10[%swap3A_88, %swap3A_89], %swap3A_92 {strides = array<i32>} : memref<16x128xf32, #tpu.memory_space<vmem>>, vector<1x16xf32>,
      %swap3A_93 = arith.index_cast %scan3A_58 : i32 to index
      %swap3A_94 = arith.constant 112 : index
      %swap3A_95 = tpu.vector_load %arg10[%swap3A_93, %swap3A_94] {strides = array<i32>} : memref<16x128xf32, #tpu.memory_space<vmem>>, vector<1x16xf32>,
      %swap3A_96 = vector.shape_cast %swap3A_95 : vector<1x16xf32> to vector<16xf32>
      %swap3A_97 = vector.shape_cast %broadcast_in_dim3A_0 : vector<16xf32> to vector<1x16xf32>
      tpu.vector_store %arg10[%swap3A_93, %swap3A_94], %swap3A_97 {strides = array<i32>} : memref<16x128xf32, #tpu.memory_space<vmem>>, vector<1x16xf32>,
    }
    %scan3A_5 = arith.constant 16 : i32
    %mul3A = arith.constant 2 : i32
    %mul3A_6 = arith.muli %arg0, %mul3A : i32
    %add3A = arith.constant 0 : i32
    %add3A_7 = arith.addi %mul3A_6, %add3A : i32
    %scan3A_8 = arith.constant 0 : i32
    %scan3A_9 = arith.constant 0 : i32
    %scan3A_10 = arith.constant 40 : i32
    %scan3A_11 = arith.addi %scan3A_9, %scan3A_10 : i32
    %scan3A_12 = arith.constant 1 : i32
    scf.for %scan3A_58 = %scan3A_9 to %scan3A_11 step %scan3A_12  : i32 {
      %mul3A_59 = arith.constant 640 : i32
      %mul3A_60 = arith.muli %arg1, %mul3A_59 : i32
      %mul3A_61 = arith.constant 16 : i32
      %mul3A_62 = arith.muli %scan3A_58, %mul3A_61 : i32
      %add3A_63 = arith.addi %mul3A_60, %mul3A_62 : i32
      "tpu.region"() ({
        %run_scoped3A = tpu.sem_alloc : memref<!tpu.dma_semaphore, #tpu.memory_space<semaphore_mem>>
        %dma_start3A = arith.constant 0 : i32
        %dma_start3A_64 = tpu.memref_slice %arg11[%add3A_63, %dma_start3A] : memref<10240x128xf32, #tpu.memory_space<vmem_shared>> -> memref<16x128xf32, #tpu.memory_space<vmem_shared>>
        %dma_start3A_65 = arith.constant 0 : i32
        %dma_start3A_66 = tpu.memref_slice %arg11[%add3A_63, %dma_start3A_65] : memref<10240x128xf32, #tpu.memory_space<vmem_shared>> -> memref<16x128xf32, #tpu.memory_space<vmem_shared>>
        tpu.enqueue_dma source(%arg10 : memref<16x128xf32, #tpu.memory_space<vmem>>) target(%dma_start3A_66 : memref<16x128xf32, #tpu.memory_space<vmem_shared>>) target_semaphore(%run_scoped3A : memref<!tpu.dma_semaphore, #tpu.memory_space<semaphore_mem>>)
        %dma_wait3A = arith.constant 0 : i32
        %dma_wait3A_67 = tpu.memref_slice %arg11[%add3A_63, %dma_wait3A] : memref<10240x128xf32, #tpu.memory_space<vmem_shared>> -> memref<16x128xf32, #tpu.memory_space<vmem_shared>>
        %dma_wait3A_68 = arith.constant 0 : i32
        %dma_wait3A_69 = tpu.memref_slice %arg11[%add3A_63, %dma_wait3A_68] : memref<10240x128xf32, #tpu.memory_space<vmem_shared>> -> memref<16x128xf32, #tpu.memory_space<vmem_shared>>
        tpu.wait_dma2 semaphore(%run_scoped3A : memref<!tpu.dma_semaphore, #tpu.memory_space<semaphore_mem>>) src(%arg10 : memref<16x128xf32, #tpu.memory_space<vmem>>) dst(%dma_wait3A_69 : memref<16x128xf32, #tpu.memory_space<vmem_shared>>)
        tpu.yield
      }) : () -> ()
    }
    %scan3A_13 = arith.constant 40 : i32
    %barrier3A = arith.constant 0 : index
    tpu.barrier barrier_id(%barrier3A)
    %scan3A_14 = arith.constant 0 : i32
    %scan3A_15 = arith.constant 0 : i32
    %scan3A_16 = arith.constant 4 : i32
    %scan3A_17 = arith.addi %scan3A_15, %scan3A_16 : i32
    %scan3A_18 = arith.constant 1 : i32
    scf.for %scan3A_58 = %scan3A_15 to %scan3A_17 step %scan3A_18  : i32 {
      %mul3A_59 = arith.constant 16 : i32
      %mul3A_60 = arith.muli %add3A_7, %mul3A_59 : i32
      %add3A_61 = arith.addi %mul3A_60, %arg1 : i32
      "tpu.region"() ({
        %run_scoped3A = tpu.sem_alloc : memref<!tpu.dma_semaphore, #tpu.memory_space<semaphore_mem>>
        %dma_start3A_87 = arith.constant 0 : i32
        %dma_start3A_88 = arith.constant 0 : i32
        %dma_start3A_89 = tpu.memref_slice %arg3[%add3A_61, %scan3A_58, %dma_start3A_87, %dma_start3A_88] : memref<64x4x20x128xi32, #tpu.memory_space<hbm>> -> memref<1x1x20x128xi32, #tpu.memory_space<hbm>>
        %dma_start3A_90 = tpu.memref_squeeze %dma_start3A_89 : memref<1x1x20x128xi32, #tpu.memory_space<hbm>> -> memref<20x128xi32, #tpu.memory_space<hbm>>
        %dma_start3A_91 = arith.constant 0 : i32
        %dma_start3A_92 = arith.constant 0 : i32
        %dma_start3A_93 = tpu.memref_slice %arg3[%add3A_61, %scan3A_58, %dma_start3A_91, %dma_start3A_92] : memref<64x4x20x128xi32, #tpu.memory_space<hbm>> -> memref<1x1x20x128xi32, #tpu.memory_space<hbm>>
        %dma_start3A_94 = tpu.memref_squeeze %dma_start3A_93 : memref<1x1x20x128xi32, #tpu.memory_space<hbm>> -> memref<20x128xi32, #tpu.memory_space<hbm>>
        tpu.enqueue_dma source(%dma_start3A_94 : memref<20x128xi32, #tpu.memory_space<hbm>>) target(%arg6 : memref<20x128xi32, #tpu.memory_space<vmem>>) target_semaphore(%run_scoped3A : memref<!tpu.dma_semaphore, #tpu.memory_space<semaphore_mem>>)
        %dma_wait3A = arith.constant 0 : i32
        %dma_wait3A_95 = arith.constant 0 : i32
        %dma_wait3A_96 = tpu.memref_slice %arg3[%add3A_61, %scan3A_58, %dma_wait3A, %dma_wait3A_95] : memref<64x4x20x128xi32, #tpu.memory_space<hbm>> -> memref<1x1x20x128xi32, #tpu.memory_space<hbm>>
        %dma_wait3A_97 = tpu.memref_squeeze %dma_wait3A_96 : memref<1x1x20x128xi32, #tpu.memory_space<hbm>> -> memref<20x128xi32, #tpu.memory_space<hbm>>
        %dma_wait3A_98 = arith.constant 0 : i32
        %dma_wait3A_99 = arith.constant 0 : i32
        %dma_wait3A_100 = tpu.memref_slice %arg3[%add3A_61, %scan3A_58, %dma_wait3A_98, %dma_wait3A_99] : memref<64x4x20x128xi32, #tpu.memory_space<hbm>> -> memref<1x1x20x128xi32, #tpu.memory_space<hbm>>
        %dma_wait3A_101 = tpu.memref_squeeze %dma_wait3A_100 : memref<1x1x20x128xi32, #tpu.memory_space<hbm>> -> memref<20x128xi32, #tpu.memory_space<hbm>>
        tpu.wait_dma2 semaphore(%run_scoped3A : memref<!tpu.dma_semaphore, #tpu.memory_space<semaphore_mem>>) src(%dma_wait3A_101 : memref<20x128xi32, #tpu.memory_space<hbm>>) dst(%arg6 : memref<20x128xi32, #tpu.memory_space<vmem>>)
        tpu.yield
      }) : () -> ()
      "tpu.region"() ({
        %run_scoped3A = tpu.sem_alloc : memref<!tpu.dma_semaphore, #tpu.memory_space<semaphore_mem>>
        %dma_start3A_87 = arith.constant 0 : i32
        %dma_start3A_88 = arith.constant 0 : i32
        %dma_start3A_89 = tpu.memref_slice %arg4[%arg1, %scan3A_58, %dma_start3A_87, %dma_start3A_88] : memref<16x4x20x128xi32, #tpu.memory_space<hbm>> -> memref<1x1x20x128xi32, #tpu.memory_space<hbm>>
        %dma_start3A_90 = tpu.memref_squeeze %dma_start3A_89 : memref<1x1x20x128xi32, #tpu.memory_space<hbm>> -> memref<20x128xi32, #tpu.memory_space<hbm>>
        %dma_start3A_91 = arith.constant 0 : i32
        %dma_start3A_92 = arith.constant 0 : i32
        %dma_start3A_93 = tpu.memref_slice %arg4[%arg1, %scan3A_58, %dma_start3A_91, %dma_start3A_92] : memref<16x4x20x128xi32, #tpu.memory_space<hbm>> -> memref<1x1x20x128xi32, #tpu.memory_space<hbm>>
        %dma_start3A_94 = tpu.memref_squeeze %dma_start3A_93 : memref<1x1x20x128xi32, #tpu.memory_space<hbm>> -> memref<20x128xi32, #tpu.memory_space<hbm>>
        tpu.enqueue_dma source(%dma_start3A_94 : memref<20x128xi32, #tpu.memory_space<hbm>>) target(%arg7 : memref<20x128xi32, #tpu.memory_space<vmem>>) target_semaphore(%run_scoped3A : memref<!tpu.dma_semaphore, #tpu.memory_space<semaphore_mem>>)
        %dma_wait3A = arith.constant 0 : i32
        %dma_wait3A_95 = arith.constant 0 : i32
        %dma_wait3A_96 = tpu.memref_slice %arg4[%arg1, %scan3A_58, %dma_wait3A, %dma_wait3A_95] : memref<16x4x20x128xi32, #tpu.memory_space<hbm>> -> memref<1x1x20x128xi32, #tpu.memory_space<hbm>>
        %dma_wait3A_97 = tpu.memref_squeeze %dma_wait3A_96 : memref<1x1x20x128xi32, #tpu.memory_space<hbm>> -> memref<20x128xi32, #tpu.memory_space<hbm>>
        %dma_wait3A_98 = arith.constant 0 : i32
        %dma_wait3A_99 = arith.constant 0 : i32
        %dma_wait3A_100 = tpu.memref_slice %arg4[%arg1, %scan3A_58, %dma_wait3A_98, %dma_wait3A_99] : memref<16x4x20x128xi32, #tpu.memory_space<hbm>> -> memref<1x1x20x128xi32, #tpu.memory_space<hbm>>
        %dma_wait3A_101 = tpu.memref_squeeze %dma_wait3A_100 : memref<1x1x20x128xi32, #tpu.memory_space<hbm>> -> memref<20x128xi32, #tpu.memory_space<hbm>>
        tpu.wait_dma2 semaphore(%run_scoped3A : memref<!tpu.dma_semaphore, #tpu.memory_space<semaphore_mem>>) src(%dma_wait3A_101 : memref<20x128xi32, #tpu.memory_space<hbm>>) dst(%arg7 : memref<20x128xi32, #tpu.memory_space<vmem>>)
        tpu.yield
      }) : () -> ()
      %dma_start3A = arith.constant 0 : i32
      %dma_start3A_62 = arith.constant 0 : i32
      %dma_start3A_63 = arith.constant 0 : i32
      %dma_start3A_64 = tpu.memref_slice %arg8[%dma_start3A_62, %dma_start3A_63] : memref<128x128xf32, #tpu.memory_space<vmem>> -> memref<64x128xf32, #tpu.memory_space<vmem>>
      %dma_start3A_65 = arith.constant 0 : i32
      %dma_start3A_66 = tpu.memref_slice %arg6[%dma_start3A, %dma_start3A_65] : memref<20x128xi32, #tpu.memory_space<vmem>> -> memref<1x64xi32, #tpu.memory_space<vmem>>
      %dma_start3A_67 = tpu.memref_squeeze %dma_start3A_66 : memref<1x64xi32, #tpu.memory_space<vmem>> -> memref<64xi32, #tpu.memory_space<vmem>>
      %dma_start3A_68 = arith.constant 0 : i32
      %dma_start3A_69 = arith.constant 0 : i32
      %dma_start3A_70 = tpu.memref_slice %arg2[%dma_start3A_68, %dma_start3A_69] : memref<40000x128xf32, #tpu.memory_space<hbm>> -> memref<40000x128xf32, #tpu.memory_space<hbm>>
      tpu.enqueue_indirect_dma source(%dma_start3A_70 : memref<40000x128xf32, #tpu.memory_space<hbm>>) target(%dma_start3A_64 : memref<64x128xf32, #tpu.memory_space<vmem>>) offsets(%dma_start3A_67 : memref<64xi32, #tpu.memory_space<vmem>>) semaphore(%arg12 : memref<!tpu.dma_semaphore, #tpu.memory_space<semaphore_mem>>)
      %dma_start3A_71 = arith.constant 0 : i32
      %dma_start3A_72 = arith.constant 64 : i32
      %dma_start3A_73 = arith.constant 0 : i32
      %dma_start3A_74 = tpu.memref_slice %arg8[%dma_start3A_72, %dma_start3A_73] : memref<128x128xf32, #tpu.memory_space<vmem>> -> memref<64x128xf32, #tpu.memory_space<vmem>>
      %dma_start3A_75 = arith.constant 64 : i32
      %dma_start3A_76 = tpu.memref_slice %arg6[%dma_start3A_71, %dma_start3A_75] : memref<20x128xi32, #tpu.memory_space<vmem>> -> memref<1x64xi32, #tpu.memory_space<vmem>>
      %dma_start3A_77 = tpu.memref_squeeze %dma_start3A_76 : memref<1x64xi32, #tpu.memory_space<vmem>> -> memref<64xi32, #tpu.memory_space<vmem>>
      %dma_start3A_78 = arith.constant 0 : i32
      %dma_start3A_79 = arith.constant 0 : i32
      %dma_start3A_80 = tpu.memref_slice %arg2[%dma_start3A_78, %dma_start3A_79] : memref<40000x128xf32, #tpu.memory_space<hbm>> -> memref<40000x128xf32, #tpu.memory_space<hbm>>
      tpu.enqueue_indirect_dma source(%dma_start3A_80 : memref<40000x128xf32, #tpu.memory_space<hbm>>) target(%dma_start3A_74 : memref<64x128xf32, #tpu.memory_space<vmem>>) offsets(%dma_start3A_77 : memref<64xi32, #tpu.memory_space<vmem>>) semaphore(%arg12 : memref<!tpu.dma_semaphore, #tpu.memory_space<semaphore_mem>>)
      %scan3A_81 = arith.constant 0 : i32
      %scan3A_82 = arith.constant 0 : i32
      %scan3A_83 = arith.constant 10 : i32
      %scan3A_84 = arith.addi %scan3A_82, %scan3A_83 : i32
      %scan3A_85 = arith.constant 1 : i32
      scf.for %scan3A_87 = %scan3A_82 to %scan3A_84 step %scan3A_85  : i32 {
        %mul3A_88 = arith.constant 2 : i32
        %mul3A_89 = arith.muli %mul3A_88, %scan3A_87 : i32
        %add3A_90 = arith.constant 1 : i32
        %add3A_91 = arith.addi %mul3A_89, %add3A_90 : i32
        %dma_start3A_92 = arith.constant 0 : i32
        %dma_start3A_93 = arith.constant 0 : i32
        %dma_start3A_94 = tpu.memref_slice %arg9[%dma_start3A_92, %dma_start3A_93] : memref<128x128xf32, #tpu.memory_space<vmem>> -> memref<64x128xf32, #tpu.memory_space<vmem>>
        %dma_start3A_95 = arith.constant 0 : i32
        %dma_start3A_96 = tpu.memref_slice %arg6[%add3A_91, %dma_start3A_95] : memref<20x128xi32, #tpu.memory_space<vmem>> -> memref<1x64xi32, #tpu.memory_space<vmem>>
        %dma_start3A_97 = tpu.memref_squeeze %dma_start3A_96 : memref<1x64xi32, #tpu.memory_space<vmem>> -> memref<64xi32, #tpu.memory_space<vmem>>
        %dma_start3A_98 = arith.constant 0 : i32
        %dma_start3A_99 = arith.constant 0 : i32
        %dma_start3A_100 = tpu.memref_slice %arg2[%dma_start3A_98, %dma_start3A_99] : memref<40000x128xf32, #tpu.memory_space<hbm>> -> memref<40000x128xf32, #tpu.memory_space<hbm>>
        tpu.enqueue_indirect_dma source(%dma_start3A_100 : memref<40000x128xf32, #tpu.memory_space<hbm>>) target(%dma_start3A_94 : memref<64x128xf32, #tpu.memory_space<vmem>>) offsets(%dma_start3A_97 : memref<64xi32, #tpu.memory_space<vmem>>) semaphore(%arg13 : memref<!tpu.dma_semaphore, #tpu.memory_space<semaphore_mem>>)
        %dma_start3A_101 = arith.constant 64 : i32
        %dma_start3A_102 = arith.constant 0 : i32
        %dma_start3A_103 = tpu.memref_slice %arg9[%dma_start3A_101, %dma_start3A_102] : memref<128x128xf32, #tpu.memory_space<vmem>> -> memref<64x128xf32, #tpu.memory_space<vmem>>
        %dma_start3A_104 = arith.constant 64 : i32
        %dma_start3A_105 = tpu.memref_slice %arg6[%add3A_91, %dma_start3A_104] : memref<20x128xi32, #tpu.memory_space<vmem>> -> memref<1x64xi32, #tpu.memory_space<vmem>>
        %dma_start3A_106 = tpu.memref_squeeze %dma_start3A_105 : memref<1x64xi32, #tpu.memory_space<vmem>> -> memref<64xi32, #tpu.memory_space<vmem>>
        %dma_start3A_107 = arith.constant 0 : i32
        %dma_start3A_108 = arith.constant 0 : i32
        %dma_start3A_109 = tpu.memref_slice %arg2[%dma_start3A_107, %dma_start3A_108] : memref<40000x128xf32, #tpu.memory_space<hbm>> -> memref<40000x128xf32, #tpu.memory_space<hbm>>
        tpu.enqueue_indirect_dma source(%dma_start3A_109 : memref<40000x128xf32, #tpu.memory_space<hbm>>) target(%dma_start3A_103 : memref<64x128xf32, #tpu.memory_space<vmem>>) offsets(%dma_start3A_106 : memref<64xi32, #tpu.memory_space<vmem>>) semaphore(%arg13 : memref<!tpu.dma_semaphore, #tpu.memory_space<semaphore_mem>>)
        %dma_wait3A = arith.constant 0 : i32
        %dma_wait3A_110 = arith.constant 0 : i32
        %dma_wait3A_111 = tpu.memref_slice %arg8[%dma_wait3A, %dma_wait3A_110] : memref<128x128xf32, #tpu.memory_space<vmem>> -> memref<64x128xf32, #tpu.memory_space<vmem>>
        %dma_wait3A_112 = arith.constant 0 : i32
        %dma_wait3A_113 = tpu.memref_slice %arg6[%mul3A_89, %dma_wait3A_112] : memref<20x128xi32, #tpu.memory_space<vmem>> -> memref<1x64xi32, #tpu.memory_space<vmem>>
        %dma_wait3A_114 = tpu.memref_squeeze %dma_wait3A_113 : memref<1x64xi32, #tpu.memory_space<vmem>> -> memref<64xi32, #tpu.memory_space<vmem>>
        %dma_wait3A_115 = arith.constant 0 : i32
        %dma_wait3A_116 = arith.constant 0 : i32
        %dma_wait3A_117 = tpu.memref_slice %arg2[%dma_wait3A_115, %dma_wait3A_116] : memref<40000x128xf32, #tpu.memory_space<hbm>> -> memref<40000x128xf32, #tpu.memory_space<hbm>>
        tpu.wait_indirect_dma semaphore(%arg12 : memref<!tpu.dma_semaphore, #tpu.memory_space<semaphore_mem>>) src(%dma_wait3A_117 : memref<40000x128xf32, #tpu.memory_space<hbm>>) dst(%dma_wait3A_111 : memref<64x128xf32, #tpu.memory_space<vmem>>)
        %dma_wait3A_118 = arith.constant 64 : i32
        %dma_wait3A_119 = arith.constant 0 : i32
        %dma_wait3A_120 = tpu.memref_slice %arg8[%dma_wait3A_118, %dma_wait3A_119] : memref<128x128xf32, #tpu.memory_space<vmem>> -> memref<64x128xf32, #tpu.memory_space<vmem>>
        %dma_wait3A_121 = arith.constant 64 : i32
        %dma_wait3A_122 = tpu.memref_slice %arg6[%mul3A_89, %dma_wait3A_121] : memref<20x128xi32, #tpu.memory_space<vmem>> -> memref<1x64xi32, #tpu.memory_space<vmem>>
        %dma_wait3A_123 = tpu.memref_squeeze %dma_wait3A_122 : memref<1x64xi32, #tpu.memory_space<vmem>> -> memref<64xi32, #tpu.memory_space<vmem>>
        %dma_wait3A_124 = arith.constant 0 : i32
        %dma_wait3A_125 = arith.constant 0 : i32
        %dma_wait3A_126 = tpu.memref_slice %arg2[%dma_wait3A_124, %dma_wait3A_125] : memref<40000x128xf32, #tpu.memory_space<hbm>> -> memref<40000x128xf32, #tpu.memory_space<hbm>>
        tpu.wait_indirect_dma semaphore(%arg12 : memref<!tpu.dma_semaphore, #tpu.memory_space<semaphore_mem>>) src(%dma_wait3A_126 : memref<40000x128xf32, #tpu.memory_space<hbm>>) dst(%dma_wait3A_120 : memref<64x128xf32, #tpu.memory_space<vmem>>)
        "tpu.region"() ({
          %run_scoped3A = tpu.sem_alloc : memref<!tpu.dma_semaphore, #tpu.memory_space<semaphore_mem>>
          %dma_start3A_151 = arith.constant 0 : i32
          %dma_start3A_152 = tpu.memref_slice %arg7[%mul3A_89, %dma_start3A_151] : memref<20x128xi32, #tpu.memory_space<vmem>> -> memref<1x128xi32, #tpu.memory_space<vmem>>
          %dma_start3A_153 = tpu.memref_squeeze %dma_start3A_152 : memref<1x128xi32, #tpu.memory_space<vmem>> -> memref<128xi32, #tpu.memory_space<vmem>>
          %dma_start3A_154 = arith.constant 0 : i32
          %dma_start3A_155 = arith.constant 0 : i32
          %dma_start3A_156 = tpu.memref_slice %arg11[%dma_start3A_154, %dma_start3A_155] : memref<10240x128xf32, #tpu.memory_space<vmem_shared>> -> memref<10240x128xf32, #tpu.memory_space<vmem_shared>>
          tpu.enqueue_indirect_dma source(%arg8 : memref<128x128xf32, #tpu.memory_space<vmem>>) target(%dma_start3A_156 : memref<10240x128xf32, #tpu.memory_space<vmem_shared>>) offsets(%dma_start3A_153 : memref<128xi32, #tpu.memory_space<vmem>>) semaphore(%run_scoped3A : memref<!tpu.dma_semaphore, #tpu.memory_space<semaphore_mem>>) {add = true}
          %dma_wait3A_157 = arith.constant 0 : i32
          %dma_wait3A_158 = tpu.memref_slice %arg7[%mul3A_89, %dma_wait3A_157] : memref<20x128xi32, #tpu.memory_space<vmem>> -> memref<1x128xi32, #tpu.memory_space<vmem>>
          %dma_wait3A_159 = tpu.memref_squeeze %dma_wait3A_158 : memref<1x128xi32, #tpu.memory_space<vmem>> -> memref<128xi32, #tpu.memory_space<vmem>>
          %dma_wait3A_160 = arith.constant 0 : i32
          %dma_wait3A_161 = arith.constant 0 : i32
          %dma_wait3A_162 = tpu.memref_slice %arg11[%dma_wait3A_160, %dma_wait3A_161] : memref<10240x128xf32, #tpu.memory_space<vmem_shared>> -> memref<10240x128xf32, #tpu.memory_space<vmem_shared>>
          tpu.wait_indirect_dma semaphore(%run_scoped3A : memref<!tpu.dma_semaphore, #tpu.memory_space<semaphore_mem>>) src(%arg8 : memref<128x128xf32, #tpu.memory_space<vmem>>) dst(%dma_wait3A_162 : memref<10240x128xf32, #tpu.memory_space<vmem_shared>>)
          tpu.yield
        }) : () -> ()
        %add3A_127 = arith.constant 1 : i32
        %add3A_128 = arith.addi %scan3A_87, %add3A_127 : i32
        %lt3A = arith.constant 10 : i32
        %lt3A_129 = arith.cmpi slt, %add3A_128, %lt3A : i32
        %convert_element_type3A_130 = arith.extui %lt3A_129 : i1 to i32
        %cond3A_131 = arith.constant 0 : i32
        %cond3A_132 = arith.cmpi ne, %convert_element_type3A_130, %cond3A_131 : i32
        scf.if %cond3A_132 {
          %add3A_151 = arith.constant 2 : i32
          %add3A_152 = arith.addi %mul3A_89, %add3A_151 : i32
          %dma_start3A_153 = arith.constant 0 : i32
          %dma_start3A_154 = arith.constant 0 : i32
          %dma_start3A_155 = tpu.memref_slice %arg8[%dma_start3A_153, %dma_start3A_154] : memref<128x128xf32, #tpu.memory_space<vmem>> -> memref<64x128xf32, #tpu.memory_space<vmem>>
          %dma_start3A_156 = arith.constant 0 : i32
          %dma_start3A_157 = tpu.memref_slice %arg6[%add3A_152, %dma_start3A_156] : memref<20x128xi32, #tpu.memory_space<vmem>> -> memref<1x64xi32, #tpu.memory_space<vmem>>
          %dma_start3A_158 = tpu.memref_squeeze %dma_start3A_157 : memref<1x64xi32, #tpu.memory_space<vmem>> -> memref<64xi32, #tpu.memory_space<vmem>>
          %dma_start3A_159 = arith.constant 0 : i32
          %dma_start3A_160 = arith.constant 0 : i32
          %dma_start3A_161 = tpu.memref_slice %arg2[%dma_start3A_159, %dma_start3A_160] : memref<40000x128xf32, #tpu.memory_space<hbm>> -> memref<40000x128xf32, #tpu.memory_space<hbm>>
          tpu.enqueue_indirect_dma source(%dma_start3A_161 : memref<40000x128xf32, #tpu.memory_space<hbm>>) target(%dma_start3A_155 : memref<64x128xf32, #tpu.memory_space<vmem>>) offsets(%dma_start3A_158 : memref<64xi32, #tpu.memory_space<vmem>>) semaphore(%arg12 : memref<!tpu.dma_semaphore, #tpu.memory_space<semaphore_mem>>)
          %dma_start3A_162 = arith.constant 64 : i32
          %dma_start3A_163 = arith.constant 0 : i32
          %dma_start3A_164 = tpu.memref_slice %arg8[%dma_start3A_162, %dma_start3A_163] : memref<128x128xf32, #tpu.memory_space<vmem>> -> memref<64x128xf32, #tpu.memory_space<vmem>>
          %dma_start3A_165 = arith.constant 64 : i32
          %dma_start3A_166 = tpu.memref_slice %arg6[%add3A_152, %dma_start3A_165] : memref<20x128xi32, #tpu.memory_space<vmem>> -> memref<1x64xi32, #tpu.memory_space<vmem>>
          %dma_start3A_167 = tpu.memref_squeeze %dma_start3A_166 : memref<1x64xi32, #tpu.memory_space<vmem>> -> memref<64xi32, #tpu.memory_space<vmem>>
          %dma_start3A_168 = arith.constant 0 : i32
          %dma_start3A_169 = arith.constant 0 : i32
          %dma_start3A_170 = tpu.memref_slice %arg2[%dma_start3A_168, %dma_start3A_169] : memref<40000x128xf32, #tpu.memory_space<hbm>> -> memref<40000x128xf32, #tpu.memory_space<hbm>>
          tpu.enqueue_indirect_dma source(%dma_start3A_170 : memref<40000x128xf32, #tpu.memory_space<hbm>>) target(%dma_start3A_164 : memref<64x128xf32, #tpu.memory_space<vmem>>) offsets(%dma_start3A_167 : memref<64xi32, #tpu.memory_space<vmem>>) semaphore(%arg12 : memref<!tpu.dma_semaphore, #tpu.memory_space<semaphore_mem>>)
        } else {
        }
        %dma_wait3A_133 = arith.constant 0 : i32
        %dma_wait3A_134 = arith.constant 0 : i32
        %dma_wait3A_135 = tpu.memref_slice %arg9[%dma_wait3A_133, %dma_wait3A_134] : memref<128x128xf32, #tpu.memory_space<vmem>> -> memref<64x128xf32, #tpu.memory_space<vmem>>
        %dma_wait3A_136 = arith.constant 0 : i32
        %dma_wait3A_137 = tpu.memref_slice %arg6[%add3A_91, %dma_wait3A_136] : memref<20x128xi32, #tpu.memory_space<vmem>> -> memref<1x64xi32, #tpu.memory_space<vmem>>
        %dma_wait3A_138 = tpu.memref_squeeze %dma_wait3A_137 : memref<1x64xi32, #tpu.memory_space<vmem>> -> memref<64xi32, #tpu.memory_space<vmem>>
        %dma_wait3A_139 = arith.constant 0 : i32
        %dma_wait3A_140 = arith.constant 0 : i32
        %dma_wait3A_141 = tpu.memref_slice %arg2[%dma_wait3A_139, %dma_wait3A_140] : memref<40000x128xf32, #tpu.memory_space<hbm>> -> memref<40000x128xf32, #tpu.memory_space<hbm>>
        tpu.wait_indirect_dma semaphore(%arg13 : memref<!tpu.dma_semaphore, #tpu.memory_space<semaphore_mem>>) src(%dma_wait3A_141 : memref<40000x128xf32, #tpu.memory_space<hbm>>) dst(%dma_wait3A_135 : memref<64x128xf32, #tpu.memory_space<vmem>>)
        %dma_wait3A_142 = arith.constant 64 : i32
        %dma_wait3A_143 = arith.constant 0 : i32
        %dma_wait3A_144 = tpu.memref_slice %arg9[%dma_wait3A_142, %dma_wait3A_143] : memref<128x128xf32, #tpu.memory_space<vmem>> -> memref<64x128xf32, #tpu.memory_space<vmem>>
        %dma_wait3A_145 = arith.constant 64 : i32
        %dma_wait3A_146 = tpu.memref_slice %arg6[%add3A_91, %dma_wait3A_145] : memref<20x128xi32, #tpu.memory_space<vmem>> -> memref<1x64xi32, #tpu.memory_space<vmem>>
        %dma_wait3A_147 = tpu.memref_squeeze %dma_wait3A_146 : memref<1x64xi32, #tpu.memory_space<vmem>> -> memref<64xi32, #tpu.memory_space<vmem>>
        %dma_wait3A_148 = arith.constant 0 : i32
        %dma_wait3A_149 = arith.constant 0 : i32
        %dma_wait3A_150 = tpu.memref_slice %arg2[%dma_wait3A_148, %dma_wait3A_149] : memref<40000x128xf32, #tpu.memory_space<hbm>> -> memref<40000x128xf32, #tpu.memory_space<hbm>>
        tpu.wait_indirect_dma semaphore(%arg13 : memref<!tpu.dma_semaphore, #tpu.memory_space<semaphore_mem>>) src(%dma_wait3A_150 : memref<40000x128xf32, #tpu.memory_space<hbm>>) dst(%dma_wait3A_144 : memref<64x128xf32, #tpu.memory_space<vmem>>)
        "tpu.region"() ({
          %run_scoped3A = tpu.sem_alloc : memref<!tpu.dma_semaphore, #tpu.memory_space<semaphore_mem>>
          %dma_start3A_151 = arith.constant 0 : i32
          %dma_start3A_152 = tpu.memref_slice %arg7[%add3A_91, %dma_start3A_151] : memref<20x128xi32, #tpu.memory_space<vmem>> -> memref<1x128xi32, #tpu.memory_space<vmem>>
          %dma_start3A_153 = tpu.memref_squeeze %dma_start3A_152 : memref<1x128xi32, #tpu.memory_space<vmem>> -> memref<128xi32, #tpu.memory_space<vmem>>
          %dma_start3A_154 = arith.constant 0 : i32
          %dma_start3A_155 = arith.constant 0 : i32
          %dma_start3A_156 = tpu.memref_slice %arg11[%dma_start3A_154, %dma_start3A_155] : memref<10240x128xf32, #tpu.memory_space<vmem_shared>> -> memref<10240x128xf32, #tpu.memory_space<vmem_shared>>
          tpu.enqueue_indirect_dma source(%arg9 : memref<128x128xf32, #tpu.memory_space<vmem>>) target(%dma_start3A_156 : memref<10240x128xf32, #tpu.memory_space<vmem_shared>>) offsets(%dma_start3A_153 : memref<128xi32, #tpu.memory_space<vmem>>) semaphore(%run_scoped3A : memref<!tpu.dma_semaphore, #tpu.memory_space<semaphore_mem>>) {add = true}
          %dma_wait3A_157 = arith.constant 0 : i32
          %dma_wait3A_158 = tpu.memref_slice %arg7[%add3A_91, %dma_wait3A_157] : memref<20x128xi32, #tpu.memory_space<vmem>> -> memref<1x128xi32, #tpu.memory_space<vmem>>
          %dma_wait3A_159 = tpu.memref_squeeze %dma_wait3A_158 : memref<1x128xi32, #tpu.memory_space<vmem>> -> memref<128xi32, #tpu.memory_space<vmem>>
          %dma_wait3A_160 = arith.constant 0 : i32
          %dma_wait3A_161 = arith.constant 0 : i32
          %dma_wait3A_162 = tpu.memref_slice %arg11[%dma_wait3A_160, %dma_wait3A_161] : memref<10240x128xf32, #tpu.memory_space<vmem_shared>> -> memref<10240x128xf32, #tpu.memory_space<vmem_shared>>
          tpu.wait_indirect_dma semaphore(%run_scoped3A : memref<!tpu.dma_semaphore, #tpu.memory_space<semaphore_mem>>) src(%arg9 : memref<128x128xf32, #tpu.memory_space<vmem>>) dst(%dma_wait3A_162 : memref<10240x128xf32, #tpu.memory_space<vmem_shared>>)
          tpu.yield
        }) : () -> ()
      }
      %scan3A_86 = arith.constant 10 : i32
    }
    %scan3A_19 = arith.constant 4 : i32
    %barrier3A_20 = arith.constant 0 : index
    tpu.barrier barrier_id(%barrier3A_20)
    %mul3A_21 = arith.constant 624 : i32
    %mul3A_22 = arith.muli %arg1, %mul3A_21 : i32
    %mul3A_23 = arith.constant 10000 : i32
    %mul3A_24 = arith.muli %add3A_7, %mul3A_23 : i32
    %add3A_25 = arith.addi %mul3A_24, %mul3A_22 : i32
    "tpu.region"() ({
      %run_scoped3A = tpu.sem_alloc : memref<!tpu.dma_semaphore, #tpu.memory_space<semaphore_mem>>
      %dma_start3A = arith.constant 0 : i32
      %dma_start3A_58 = tpu.memref_slice %arg5[%add3A_25, %dma_start3A] : memref<40000x128xf32, #tpu.memory_space<hbm>> -> memref<624x128xf32, #tpu.memory_space<hbm>>
      %dma_start3A_59 = arith.constant 0 : i32
      %dma_start3A_60 = tpu.memref_slice %arg11[%mul3A_22, %dma_start3A_59] : memref<10240x128xf32, #tpu.memory_space<vmem_shared>> -> memref<624x128xf32, #tpu.memory_space<vmem_shared>>
      tpu.enqueue_dma source(%dma_start3A_60 : memref<624x128xf32, #tpu.memory_space<vmem_shared>>) target(%dma_start3A_58 : memref<624x128xf32, #tpu.memory_space<hbm>>) target_semaphore(%run_scoped3A : memref<!tpu.dma_semaphore, #tpu.memory_space<semaphore_mem>>)
      %dma_wait3A = arith.constant 0 : i32
      %dma_wait3A_61 = tpu.memref_slice %arg5[%add3A_25, %dma_wait3A] : memref<40000x128xf32, #tpu.memory_space<hbm>> -> memref<624x128xf32, #tpu.memory_space<hbm>>
      %dma_wait3A_62 = arith.constant 0 : i32
      %dma_wait3A_63 = tpu.memref_slice %arg11[%mul3A_22, %dma_wait3A_62] : memref<10240x128xf32, #tpu.memory_space<vmem_shared>> -> memref<624x128xf32, #tpu.memory_space<vmem_shared>>
      tpu.wait_dma2 semaphore(%run_scoped3A : memref<!tpu.dma_semaphore, #tpu.memory_space<semaphore_mem>>) src(%dma_wait3A_63 : memref<624x128xf32, #tpu.memory_space<vmem_shared>>) dst(%dma_wait3A_61 : memref<624x128xf32, #tpu.memory_space<hbm>>)
      tpu.yield
    }) : () -> ()
    %eq3A = arith.constant 15 : i32
    %eq3A_26 = arith.cmpi eq, %arg1, %eq3A : i32
    %convert_element_type3A = arith.extui %eq3A_26 : i1 to i32
    %cond3A = arith.constant 0 : i32
    %cond3A_27 = arith.cmpi ne, %convert_element_type3A, %cond3A : i32
    scf.if %cond3A_27 {
      %mul3A_58 = arith.constant 10000 : i32
      %mul3A_59 = arith.muli %add3A_7, %mul3A_58 : i32
      %add3A_60 = arith.constant 9984 : i32
      %add3A_61 = arith.addi %mul3A_59, %add3A_60 : i32
      "tpu.region"() ({
        %run_scoped3A = tpu.sem_alloc : memref<!tpu.dma_semaphore, #tpu.memory_space<semaphore_mem>>
        %dma_start3A = arith.constant 0 : i32
        %dma_start3A_62 = tpu.memref_slice %arg5[%add3A_61, %dma_start3A] : memref<40000x128xf32, #tpu.memory_space<hbm>> -> memref<16x128xf32, #tpu.memory_space<hbm>>
        %dma_start3A_63 = arith.constant 9984 : i32
        %dma_start3A_64 = arith.constant 0 : i32
        %dma_start3A_65 = tpu.memref_slice %arg11[%dma_start3A_63, %dma_start3A_64] : memref<10240x128xf32, #tpu.memory_space<vmem_shared>> -> memref<16x128xf32, #tpu.memory_space<vmem_shared>>
        tpu.enqueue_dma source(%dma_start3A_65 : memref<16x128xf32, #tpu.memory_space<vmem_shared>>) target(%dma_start3A_62 : memref<16x128xf32, #tpu.memory_space<hbm>>) target_semaphore(%run_scoped3A : memref<!tpu.dma_semaphore, #tpu.memory_space<semaphore_mem>>)
        %dma_wait3A = arith.constant 0 : i32
        %dma_wait3A_66 = tpu.memref_slice %arg5[%add3A_61, %dma_wait3A] : memref<40000x128xf32, #tpu.memory_space<hbm>> -> memref<16x128xf32, #tpu.memory_space<hbm>>
        %dma_wait3A_67 = arith.constant 9984 : i32
        %dma_wait3A_68 = arith.constant 0 : i32
        %dma_wait3A_69 = tpu.memref_slice %arg11[%dma_wait3A_67, %dma_wait3A_68] : memref<10240x128xf32, #tpu.memory_space<vmem_shared>> -> memref<16x128xf32, #tpu.memory_space<vmem_shared>>
        tpu.wait_dma2 semaphore(%run_scoped3A : memref<!tpu.dma_semaphore, #tpu.memory_space<semaphore_mem>>) src(%dma_wait3A_69 : memref<16x128xf32, #tpu.memory_space<vmem_shared>>) dst(%dma_wait3A_66 : memref<16x128xf32, #tpu.memory_space<hbm>>)
        tpu.yield
      }) : () -> ()
    } else {
    }
    %barrier3A_28 = arith.constant 0 : index
    tpu.barrier barrier_id(%barrier3A_28)
    %mul3A_29 = arith.constant 2 : i32
    %mul3A_30 = arith.muli %arg0, %mul3A_29 : i32
    %add3A_31 = arith.constant 1 : i32
    %add3A_32 = arith.addi %mul3A_30, %add3A_31 : i32
    %scan3A_33 = arith.constant 0 : i32
    %scan3A_34 = arith.constant 0 : i32
    %scan3A_35 = arith.constant 40 : i32
    %scan3A_36 = arith.addi %scan3A_34, %scan3A_35 : i32
    %scan3A_37 = arith.constant 1 : i32
    scf.for %scan3A_58 = %scan3A_34 to %scan3A_36 step %scan3A_37  : i32 {
      %mul3A_59 = arith.constant 640 : i32
      %mul3A_60 = arith.muli %arg1, %mul3A_59 : i32
      %mul3A_61 = arith.constant 16 : i32
      %mul3A_62 = arith.muli %scan3A_58, %mul3A_61 : i32
      %add3A_63 = arith.addi %mul3A_60, %mul3A_62 : i32
      "tpu.region"() ({
        %run_scoped3A = tpu.sem_alloc : memref<!tpu.dma_semaphore, #tpu.memory_space<semaphore_mem>>
        %dma_start3A = arith.constant 0 : i32
        %dma_start3A_64 = tpu.memref_slice %arg11[%add3A_63, %dma_start3A] : memref<10240x128xf32, #tpu.memory_space<vmem_shared>> -> memref<16x128xf32, #tpu.memory_space<vmem_shared>>
        %dma_start3A_65 = arith.constant 0 : i32
        %dma_start3A_66 = tpu.memref_slice %arg11[%add3A_63, %dma_start3A_65] : memref<10240x128xf32, #tpu.memory_space<vmem_shared>> -> memref<16x128xf32, #tpu.memory_space<vmem_shared>>
        tpu.enqueue_dma source(%arg10 : memref<16x128xf32, #tpu.memory_space<vmem>>) target(%dma_start3A_66 : memref<16x128xf32, #tpu.memory_space<vmem_shared>>) target_semaphore(%run_scoped3A : memref<!tpu.dma_semaphore, #tpu.memory_space<semaphore_mem>>)
        %dma_wait3A = arith.constant 0 : i32
        %dma_wait3A_67 = tpu.memref_slice %arg11[%add3A_63, %dma_wait3A] : memref<10240x128xf32, #tpu.memory_space<vmem_shared>> -> memref<16x128xf32, #tpu.memory_space<vmem_shared>>
        %dma_wait3A_68 = arith.constant 0 : i32
        %dma_wait3A_69 = tpu.memref_slice %arg11[%add3A_63, %dma_wait3A_68] : memref<10240x128xf32, #tpu.memory_space<vmem_shared>> -> memref<16x128xf32, #tpu.memory_space<vmem_shared>>
        tpu.wait_dma2 semaphore(%run_scoped3A : memref<!tpu.dma_semaphore, #tpu.memory_space<semaphore_mem>>) src(%arg10 : memref<16x128xf32, #tpu.memory_space<vmem>>) dst(%dma_wait3A_69 : memref<16x128xf32, #tpu.memory_space<vmem_shared>>)
        tpu.yield
      }) : () -> ()
    }
    %scan3A_38 = arith.constant 40 : i32
    %barrier3A_39 = arith.constant 0 : index
    tpu.barrier barrier_id(%barrier3A_39)
    %scan3A_40 = arith.constant 0 : i32
    %scan3A_41 = arith.constant 0 : i32
    %scan3A_42 = arith.constant 4 : i32
    %scan3A_43 = arith.addi %scan3A_41, %scan3A_42 : i32
    %scan3A_44 = arith.constant 1 : i32
    scf.for %scan3A_58 = %scan3A_41 to %scan3A_43 step %scan3A_44  : i32 {
      %mul3A_59 = arith.constant 16 : i32
      %mul3A_60 = arith.muli %add3A_32, %mul3A_59 : i32
      %add3A_61 = arith.addi %mul3A_60, %arg1 : i32
      "tpu.region"() ({
        %run_scoped3A = tpu.sem_alloc : memref<!tpu.dma_semaphore, #tpu.memory_space<semaphore_mem>>
        %dma_start3A_87 = arith.constant 0 : i32
        %dma_start3A_88 = arith.constant 0 : i32
        %dma_start3A_89 = tpu.memref_slice %arg3[%add3A_61, %scan3A_58, %dma_start3A_87, %dma_start3A_88] : memref<64x4x20x128xi32, #tpu.memory_space<hbm>> -> memref<1x1x20x128xi32, #tpu.memory_space<hbm>>
        %dma_start3A_90 = tpu.memref_squeeze %dma_start3A_89 : memref<1x1x20x128xi32, #tpu.memory_space<hbm>> -> memref<20x128xi32, #tpu.memory_space<hbm>>
        %dma_start3A_91 = arith.constant 0 : i32
        %dma_start3A_92 = arith.constant 0 : i32
        %dma_start3A_93 = tpu.memref_slice %arg3[%add3A_61, %scan3A_58, %dma_start3A_91, %dma_start3A_92] : memref<64x4x20x128xi32, #tpu.memory_space<hbm>> -> memref<1x1x20x128xi32, #tpu.memory_space<hbm>>
        %dma_start3A_94 = tpu.memref_squeeze %dma_start3A_93 : memref<1x1x20x128xi32, #tpu.memory_space<hbm>> -> memref<20x128xi32, #tpu.memory_space<hbm>>
        tpu.enqueue_dma source(%dma_start3A_94 : memref<20x128xi32, #tpu.memory_space<hbm>>) target(%arg6 : memref<20x128xi32, #tpu.memory_space<vmem>>) target_semaphore(%run_scoped3A : memref<!tpu.dma_semaphore, #tpu.memory_space<semaphore_mem>>)
        %dma_wait3A = arith.constant 0 : i32
        %dma_wait3A_95 = arith.constant 0 : i32
        %dma_wait3A_96 = tpu.memref_slice %arg3[%add3A_61, %scan3A_58, %dma_wait3A, %dma_wait3A_95] : memref<64x4x20x128xi32, #tpu.memory_space<hbm>> -> memref<1x1x20x128xi32, #tpu.memory_space<hbm>>
        %dma_wait3A_97 = tpu.memref_squeeze %dma_wait3A_96 : memref<1x1x20x128xi32, #tpu.memory_space<hbm>> -> memref<20x128xi32, #tpu.memory_space<hbm>>
        %dma_wait3A_98 = arith.constant 0 : i32
        %dma_wait3A_99 = arith.constant 0 : i32
        %dma_wait3A_100 = tpu.memref_slice %arg3[%add3A_61, %scan3A_58, %dma_wait3A_98, %dma_wait3A_99] : memref<64x4x20x128xi32, #tpu.memory_space<hbm>> -> memref<1x1x20x128xi32, #tpu.memory_space<hbm>>
        %dma_wait3A_101 = tpu.memref_squeeze %dma_wait3A_100 : memref<1x1x20x128xi32, #tpu.memory_space<hbm>> -> memref<20x128xi32, #tpu.memory_space<hbm>>
        tpu.wait_dma2 semaphore(%run_scoped3A : memref<!tpu.dma_semaphore, #tpu.memory_space<semaphore_mem>>) src(%dma_wait3A_101 : memref<20x128xi32, #tpu.memory_space<hbm>>) dst(%arg6 : memref<20x128xi32, #tpu.memory_space<vmem>>)
        tpu.yield
      }) : () -> ()
      "tpu.region"() ({
        %run_scoped3A = tpu.sem_alloc : memref<!tpu.dma_semaphore, #tpu.memory_space<semaphore_mem>>
        %dma_start3A_87 = arith.constant 0 : i32
        %dma_start3A_88 = arith.constant 0 : i32
        %dma_start3A_89 = tpu.memref_slice %arg4[%arg1, %scan3A_58, %dma_start3A_87, %dma_start3A_88] : memref<16x4x20x128xi32, #tpu.memory_space<hbm>> -> memref<1x1x20x128xi32, #tpu.memory_space<hbm>>
        %dma_start3A_90 = tpu.memref_squeeze %dma_start3A_89 : memref<1x1x20x128xi32, #tpu.memory_space<hbm>> -> memref<20x128xi32, #tpu.memory_space<hbm>>
        %dma_start3A_91 = arith.constant 0 : i32
        %dma_start3A_92 = arith.constant 0 : i32
        %dma_start3A_93 = tpu.memref_slice %arg4[%arg1, %scan3A_58, %dma_start3A_91, %dma_start3A_92] : memref<16x4x20x128xi32, #tpu.memory_space<hbm>> -> memref<1x1x20x128xi32, #tpu.memory_space<hbm>>
        %dma_start3A_94 = tpu.memref_squeeze %dma_start3A_93 : memref<1x1x20x128xi32, #tpu.memory_space<hbm>> -> memref<20x128xi32, #tpu.memory_space<hbm>>
        tpu.enqueue_dma source(%dma_start3A_94 : memref<20x128xi32, #tpu.memory_space<hbm>>) target(%arg7 : memref<20x128xi32, #tpu.memory_space<vmem>>) target_semaphore(%run_scoped3A : memref<!tpu.dma_semaphore, #tpu.memory_space<semaphore_mem>>)
        %dma_wait3A = arith.constant 0 : i32
        %dma_wait3A_95 = arith.constant 0 : i32
        %dma_wait3A_96 = tpu.memref_slice %arg4[%arg1, %scan3A_58, %dma_wait3A, %dma_wait3A_95] : memref<16x4x20x128xi32, #tpu.memory_space<hbm>> -> memref<1x1x20x128xi32, #tpu.memory_space<hbm>>
        %dma_wait3A_97 = tpu.memref_squeeze %dma_wait3A_96 : memref<1x1x20x128xi32, #tpu.memory_space<hbm>> -> memref<20x128xi32, #tpu.memory_space<hbm>>
        %dma_wait3A_98 = arith.constant 0 : i32
        %dma_wait3A_99 = arith.constant 0 : i32
        %dma_wait3A_100 = tpu.memref_slice %arg4[%arg1, %scan3A_58, %dma_wait3A_98, %dma_wait3A_99] : memref<16x4x20x128xi32, #tpu.memory_space<hbm>> -> memref<1x1x20x128xi32, #tpu.memory_space<hbm>>
        %dma_wait3A_101 = tpu.memref_squeeze %dma_wait3A_100 : memref<1x1x20x128xi32, #tpu.memory_space<hbm>> -> memref<20x128xi32, #tpu.memory_space<hbm>>
        tpu.wait_dma2 semaphore(%run_scoped3A : memref<!tpu.dma_semaphore, #tpu.memory_space<semaphore_mem>>) src(%dma_wait3A_101 : memref<20x128xi32, #tpu.memory_space<hbm>>) dst(%arg7 : memref<20x128xi32, #tpu.memory_space<vmem>>)
        tpu.yield
      }) : () -> ()
      %dma_start3A = arith.constant 0 : i32
      %dma_start3A_62 = arith.constant 0 : i32
      %dma_start3A_63 = arith.constant 0 : i32
      %dma_start3A_64 = tpu.memref_slice %arg8[%dma_start3A_62, %dma_start3A_63] : memref<128x128xf32, #tpu.memory_space<vmem>> -> memref<64x128xf32, #tpu.memory_space<vmem>>
      %dma_start3A_65 = arith.constant 0 : i32
      %dma_start3A_66 = tpu.memref_slice %arg6[%dma_start3A, %dma_start3A_65] : memref<20x128xi32, #tpu.memory_space<vmem>> -> memref<1x64xi32, #tpu.memory_space<vmem>>
      %dma_start3A_67 = tpu.memref_squeeze %dma_start3A_66 : memref<1x64xi32, #tpu.memory_space<vmem>> -> memref<64xi32, #tpu.memory_space<vmem>>
      %dma_start3A_68 = arith.constant 0 : i32
      %dma_start3A_69 = arith.constant 0 : i32
      %dma_start3A_70 = tpu.memref_slice %arg2[%dma_start3A_68, %dma_start3A_69] : memref<40000x128xf32, #tpu.memory_space<hbm>> -> memref<40000x128xf32, #tpu.memory_space<hbm>>
      tpu.enqueue_indirect_dma source(%dma_start3A_70 : memref<40000x128xf32, #tpu.memory_space<hbm>>) target(%dma_start3A_64 : memref<64x128xf32, #tpu.memory_space<vmem>>) offsets(%dma_start3A_67 : memref<64xi32, #tpu.memory_space<vmem>>) semaphore(%arg12 : memref<!tpu.dma_semaphore, #tpu.memory_space<semaphore_mem>>)
      %dma_start3A_71 = arith.constant 0 : i32
      %dma_start3A_72 = arith.constant 64 : i32
      %dma_start3A_73 = arith.constant 0 : i32
      %dma_start3A_74 = tpu.memref_slice %arg8[%dma_start3A_72, %dma_start3A_73] : memref<128x128xf32, #tpu.memory_space<vmem>> -> memref<64x128xf32, #tpu.memory_space<vmem>>
      %dma_start3A_75 = arith.constant 64 : i32
      %dma_start3A_76 = tpu.memref_slice %arg6[%dma_start3A_71, %dma_start3A_75] : memref<20x128xi32, #tpu.memory_space<vmem>> -> memref<1x64xi32, #tpu.memory_space<vmem>>
      %dma_start3A_77 = tpu.memref_squeeze %dma_start3A_76 : memref<1x64xi32, #tpu.memory_space<vmem>> -> memref<64xi32, #tpu.memory_space<vmem>>
      %dma_start3A_78 = arith.constant 0 : i32
      %dma_start3A_79 = arith.constant 0 : i32
      %dma_start3A_80 = tpu.memref_slice %arg2[%dma_start3A_78, %dma_start3A_79] : memref<40000x128xf32, #tpu.memory_space<hbm>> -> memref<40000x128xf32, #tpu.memory_space<hbm>>
      tpu.enqueue_indirect_dma source(%dma_start3A_80 : memref<40000x128xf32, #tpu.memory_space<hbm>>) target(%dma_start3A_74 : memref<64x128xf32, #tpu.memory_space<vmem>>) offsets(%dma_start3A_77 : memref<64xi32, #tpu.memory_space<vmem>>) semaphore(%arg12 : memref<!tpu.dma_semaphore, #tpu.memory_space<semaphore_mem>>)
      %scan3A_81 = arith.constant 0 : i32
      %scan3A_82 = arith.constant 0 : i32
      %scan3A_83 = arith.constant 10 : i32
      %scan3A_84 = arith.addi %scan3A_82, %scan3A_83 : i32
      %scan3A_85 = arith.constant 1 : i32
      scf.for %scan3A_87 = %scan3A_82 to %scan3A_84 step %scan3A_85  : i32 {
        %mul3A_88 = arith.constant 2 : i32
        %mul3A_89 = arith.muli %mul3A_88, %scan3A_87 : i32
        %add3A_90 = arith.constant 1 : i32
        %add3A_91 = arith.addi %mul3A_89, %add3A_90 : i32
        %dma_start3A_92 = arith.constant 0 : i32
        %dma_start3A_93 = arith.constant 0 : i32
        %dma_start3A_94 = tpu.memref_slice %arg9[%dma_start3A_92, %dma_start3A_93] : memref<128x128xf32, #tpu.memory_space<vmem>> -> memref<64x128xf32, #tpu.memory_space<vmem>>
        %dma_start3A_95 = arith.constant 0 : i32
        %dma_start3A_96 = tpu.memref_slice %arg6[%add3A_91, %dma_start3A_95] : memref<20x128xi32, #tpu.memory_space<vmem>> -> memref<1x64xi32, #tpu.memory_space<vmem>>
        %dma_start3A_97 = tpu.memref_squeeze %dma_start3A_96 : memref<1x64xi32, #tpu.memory_space<vmem>> -> memref<64xi32, #tpu.memory_space<vmem>>
        %dma_start3A_98 = arith.constant 0 : i32
        %dma_start3A_99 = arith.constant 0 : i32
        %dma_start3A_100 = tpu.memref_slice %arg2[%dma_start3A_98, %dma_start3A_99] : memref<40000x128xf32, #tpu.memory_space<hbm>> -> memref<40000x128xf32, #tpu.memory_space<hbm>>
        tpu.enqueue_indirect_dma source(%dma_start3A_100 : memref<40000x128xf32, #tpu.memory_space<hbm>>) target(%dma_start3A_94 : memref<64x128xf32, #tpu.memory_space<vmem>>) offsets(%dma_start3A_97 : memref<64xi32, #tpu.memory_space<vmem>>) semaphore(%arg13 : memref<!tpu.dma_semaphore, #tpu.memory_space<semaphore_mem>>)
        %dma_start3A_101 = arith.constant 64 : i32
        %dma_start3A_102 = arith.constant 0 : i32
        %dma_start3A_103 = tpu.memref_slice %arg9[%dma_start3A_101, %dma_start3A_102] : memref<128x128xf32, #tpu.memory_space<vmem>> -> memref<64x128xf32, #tpu.memory_space<vmem>>
        %dma_start3A_104 = arith.constant 64 : i32
        %dma_start3A_105 = tpu.memref_slice %arg6[%add3A_91, %dma_start3A_104] : memref<20x128xi32, #tpu.memory_space<vmem>> -> memref<1x64xi32, #tpu.memory_space<vmem>>
        %dma_start3A_106 = tpu.memref_squeeze %dma_start3A_105 : memref<1x64xi32, #tpu.memory_space<vmem>> -> memref<64xi32, #tpu.memory_space<vmem>>
        %dma_start3A_107 = arith.constant 0 : i32
        %dma_start3A_108 = arith.constant 0 : i32
        %dma_start3A_109 = tpu.memref_slice %arg2[%dma_start3A_107, %dma_start3A_108] : memref<40000x128xf32, #tpu.memory_space<hbm>> -> memref<40000x128xf32, #tpu.memory_space<hbm>>
        tpu.enqueue_indirect_dma source(%dma_start3A_109 : memref<40000x128xf32, #tpu.memory_space<hbm>>) target(%dma_start3A_103 : memref<64x128xf32, #tpu.memory_space<vmem>>) offsets(%dma_start3A_106 : memref<64xi32, #tpu.memory_space<vmem>>) semaphore(%arg13 : memref<!tpu.dma_semaphore, #tpu.memory_space<semaphore_mem>>)
        %dma_wait3A = arith.constant 0 : i32
        %dma_wait3A_110 = arith.constant 0 : i32
        %dma_wait3A_111 = tpu.memref_slice %arg8[%dma_wait3A, %dma_wait3A_110] : memref<128x128xf32, #tpu.memory_space<vmem>> -> memref<64x128xf32, #tpu.memory_space<vmem>>
        %dma_wait3A_112 = arith.constant 0 : i32
        %dma_wait3A_113 = tpu.memref_slice %arg6[%mul3A_89, %dma_wait3A_112] : memref<20x128xi32, #tpu.memory_space<vmem>> -> memref<1x64xi32, #tpu.memory_space<vmem>>
        %dma_wait3A_114 = tpu.memref_squeeze %dma_wait3A_113 : memref<1x64xi32, #tpu.memory_space<vmem>> -> memref<64xi32, #tpu.memory_space<vmem>>
        %dma_wait3A_115 = arith.constant 0 : i32
        %dma_wait3A_116 = arith.constant 0 : i32
        %dma_wait3A_117 = tpu.memref_slice %arg2[%dma_wait3A_115, %dma_wait3A_116] : memref<40000x128xf32, #tpu.memory_space<hbm>> -> memref<40000x128xf32, #tpu.memory_space<hbm>>
        tpu.wait_indirect_dma semaphore(%arg12 : memref<!tpu.dma_semaphore, #tpu.memory_space<semaphore_mem>>) src(%dma_wait3A_117 : memref<40000x128xf32, #tpu.memory_space<hbm>>) dst(%dma_wait3A_111 : memref<64x128xf32, #tpu.memory_space<vmem>>)
        %dma_wait3A_118 = arith.constant 64 : i32
        %dma_wait3A_119 = arith.constant 0 : i32
        %dma_wait3A_120 = tpu.memref_slice %arg8[%dma_wait3A_118, %dma_wait3A_119] : memref<128x128xf32, #tpu.memory_space<vmem>> -> memref<64x128xf32, #tpu.memory_space<vmem>>
        %dma_wait3A_121 = arith.constant 64 : i32
        %dma_wait3A_122 = tpu.memref_slice %arg6[%mul3A_89, %dma_wait3A_121] : memref<20x128xi32, #tpu.memory_space<vmem>> -> memref<1x64xi32, #tpu.memory_space<vmem>>
        %dma_wait3A_123 = tpu.memref_squeeze %dma_wait3A_122 : memref<1x64xi32, #tpu.memory_space<vmem>> -> memref<64xi32, #tpu.memory_space<vmem>>
        %dma_wait3A_124 = arith.constant 0 : i32
        %dma_wait3A_125 = arith.constant 0 : i32
        %dma_wait3A_126 = tpu.memref_slice %arg2[%dma_wait3A_124, %dma_wait3A_125] : memref<40000x128xf32, #tpu.memory_space<hbm>> -> memref<40000x128xf32, #tpu.memory_space<hbm>>
        tpu.wait_indirect_dma semaphore(%arg12 : memref<!tpu.dma_semaphore, #tpu.memory_space<semaphore_mem>>) src(%dma_wait3A_126 : memref<40000x128xf32, #tpu.memory_space<hbm>>) dst(%dma_wait3A_120 : memref<64x128xf32, #tpu.memory_space<vmem>>)
        "tpu.region"() ({
          %run_scoped3A = tpu.sem_alloc : memref<!tpu.dma_semaphore, #tpu.memory_space<semaphore_mem>>
          %dma_start3A_151 = arith.constant 0 : i32
          %dma_start3A_152 = tpu.memref_slice %arg7[%mul3A_89, %dma_start3A_151] : memref<20x128xi32, #tpu.memory_space<vmem>> -> memref<1x128xi32, #tpu.memory_space<vmem>>
          %dma_start3A_153 = tpu.memref_squeeze %dma_start3A_152 : memref<1x128xi32, #tpu.memory_space<vmem>> -> memref<128xi32, #tpu.memory_space<vmem>>
          %dma_start3A_154 = arith.constant 0 : i32
          %dma_start3A_155 = arith.constant 0 : i32
          %dma_start3A_156 = tpu.memref_slice %arg11[%dma_start3A_154, %dma_start3A_155] : memref<10240x128xf32, #tpu.memory_space<vmem_shared>> -> memref<10240x128xf32, #tpu.memory_space<vmem_shared>>
          tpu.enqueue_indirect_dma source(%arg8 : memref<128x128xf32, #tpu.memory_space<vmem>>) target(%dma_start3A_156 : memref<10240x128xf32, #tpu.memory_space<vmem_shared>>) offsets(%dma_start3A_153 : memref<128xi32, #tpu.memory_space<vmem>>) semaphore(%run_scoped3A : memref<!tpu.dma_semaphore, #tpu.memory_space<semaphore_mem>>) {add = true}
          %dma_wait3A_157 = arith.constant 0 : i32
          %dma_wait3A_158 = tpu.memref_slice %arg7[%mul3A_89, %dma_wait3A_157] : memref<20x128xi32, #tpu.memory_space<vmem>> -> memref<1x128xi32, #tpu.memory_space<vmem>>
          %dma_wait3A_159 = tpu.memref_squeeze %dma_wait3A_158 : memref<1x128xi32, #tpu.memory_space<vmem>> -> memref<128xi32, #tpu.memory_space<vmem>>
          %dma_wait3A_160 = arith.constant 0 : i32
          %dma_wait3A_161 = arith.constant 0 : i32
          %dma_wait3A_162 = tpu.memref_slice %arg11[%dma_wait3A_160, %dma_wait3A_161] : memref<10240x128xf32, #tpu.memory_space<vmem_shared>> -> memref<10240x128xf32, #tpu.memory_space<vmem_shared>>
          tpu.wait_indirect_dma semaphore(%run_scoped3A : memref<!tpu.dma_semaphore, #tpu.memory_space<semaphore_mem>>) src(%arg8 : memref<128x128xf32, #tpu.memory_space<vmem>>) dst(%dma_wait3A_162 : memref<10240x128xf32, #tpu.memory_space<vmem_shared>>)
          tpu.yield
        }) : () -> ()
        %add3A_127 = arith.constant 1 : i32
        %add3A_128 = arith.addi %scan3A_87, %add3A_127 : i32
        %lt3A = arith.constant 10 : i32
        %lt3A_129 = arith.cmpi slt, %add3A_128, %lt3A : i32
        %convert_element_type3A_130 = arith.extui %lt3A_129 : i1 to i32
        %cond3A_131 = arith.constant 0 : i32
        %cond3A_132 = arith.cmpi ne, %convert_element_type3A_130, %cond3A_131 : i32
        scf.if %cond3A_132 {
          %add3A_151 = arith.constant 2 : i32
          %add3A_152 = arith.addi %mul3A_89, %add3A_151 : i32
          %dma_start3A_153 = arith.constant 0 : i32
          %dma_start3A_154 = arith.constant 0 : i32
          %dma_start3A_155 = tpu.memref_slice %arg8[%dma_start3A_153, %dma_start3A_154] : memref<128x128xf32, #tpu.memory_space<vmem>> -> memref<64x128xf32, #tpu.memory_space<vmem>>
          %dma_start3A_156 = arith.constant 0 : i32
          %dma_start3A_157 = tpu.memref_slice %arg6[%add3A_152, %dma_start3A_156] : memref<20x128xi32, #tpu.memory_space<vmem>> -> memref<1x64xi32, #tpu.memory_space<vmem>>
          %dma_start3A_158 = tpu.memref_squeeze %dma_start3A_157 : memref<1x64xi32, #tpu.memory_space<vmem>> -> memref<64xi32, #tpu.memory_space<vmem>>
          %dma_start3A_159 = arith.constant 0 : i32
          %dma_start3A_160 = arith.constant 0 : i32
          %dma_start3A_161 = tpu.memref_slice %arg2[%dma_start3A_159, %dma_start3A_160] : memref<40000x128xf32, #tpu.memory_space<hbm>> -> memref<40000x128xf32, #tpu.memory_space<hbm>>
          tpu.enqueue_indirect_dma source(%dma_start3A_161 : memref<40000x128xf32, #tpu.memory_space<hbm>>) target(%dma_start3A_155 : memref<64x128xf32, #tpu.memory_space<vmem>>) offsets(%dma_start3A_158 : memref<64xi32, #tpu.memory_space<vmem>>) semaphore(%arg12 : memref<!tpu.dma_semaphore, #tpu.memory_space<semaphore_mem>>)
          %dma_start3A_162 = arith.constant 64 : i32
          %dma_start3A_163 = arith.constant 0 : i32
          %dma_start3A_164 = tpu.memref_slice %arg8[%dma_start3A_162, %dma_start3A_163] : memref<128x128xf32, #tpu.memory_space<vmem>> -> memref<64x128xf32, #tpu.memory_space<vmem>>
          %dma_start3A_165 = arith.constant 64 : i32
          %dma_start3A_166 = tpu.memref_slice %arg6[%add3A_152, %dma_start3A_165] : memref<20x128xi32, #tpu.memory_space<vmem>> -> memref<1x64xi32, #tpu.memory_space<vmem>>
          %dma_start3A_167 = tpu.memref_squeeze %dma_start3A_166 : memref<1x64xi32, #tpu.memory_space<vmem>> -> memref<64xi32, #tpu.memory_space<vmem>>
          %dma_start3A_168 = arith.constant 0 : i32
          %dma_start3A_169 = arith.constant 0 : i32
          %dma_start3A_170 = tpu.memref_slice %arg2[%dma_start3A_168, %dma_start3A_169] : memref<40000x128xf32, #tpu.memory_space<hbm>> -> memref<40000x128xf32, #tpu.memory_space<hbm>>
          tpu.enqueue_indirect_dma source(%dma_start3A_170 : memref<40000x128xf32, #tpu.memory_space<hbm>>) target(%dma_start3A_164 : memref<64x128xf32, #tpu.memory_space<vmem>>) offsets(%dma_start3A_167 : memref<64xi32, #tpu.memory_space<vmem>>) semaphore(%arg12 : memref<!tpu.dma_semaphore, #tpu.memory_space<semaphore_mem>>)
        } else {
        }
        %dma_wait3A_133 = arith.constant 0 : i32
        %dma_wait3A_134 = arith.constant 0 : i32
        %dma_wait3A_135 = tpu.memref_slice %arg9[%dma_wait3A_133, %dma_wait3A_134] : memref<128x128xf32, #tpu.memory_space<vmem>> -> memref<64x128xf32, #tpu.memory_space<vmem>>
        %dma_wait3A_136 = arith.constant 0 : i32
        %dma_wait3A_137 = tpu.memref_slice %arg6[%add3A_91, %dma_wait3A_136] : memref<20x128xi32, #tpu.memory_space<vmem>> -> memref<1x64xi32, #tpu.memory_space<vmem>>
        %dma_wait3A_138 = tpu.memref_squeeze %dma_wait3A_137 : memref<1x64xi32, #tpu.memory_space<vmem>> -> memref<64xi32, #tpu.memory_space<vmem>>
        %dma_wait3A_139 = arith.constant 0 : i32
        %dma_wait3A_140 = arith.constant 0 : i32
        %dma_wait3A_141 = tpu.memref_slice %arg2[%dma_wait3A_139, %dma_wait3A_140] : memref<40000x128xf32, #tpu.memory_space<hbm>> -> memref<40000x128xf32, #tpu.memory_space<hbm>>
        tpu.wait_indirect_dma semaphore(%arg13 : memref<!tpu.dma_semaphore, #tpu.memory_space<semaphore_mem>>) src(%dma_wait3A_141 : memref<40000x128xf32, #tpu.memory_space<hbm>>) dst(%dma_wait3A_135 : memref<64x128xf32, #tpu.memory_space<vmem>>)
        %dma_wait3A_142 = arith.constant 64 : i32
        %dma_wait3A_143 = arith.constant 0 : i32
        %dma_wait3A_144 = tpu.memref_slice %arg9[%dma_wait3A_142, %dma_wait3A_143] : memref<128x128xf32, #tpu.memory_space<vmem>> -> memref<64x128xf32, #tpu.memory_space<vmem>>
        %dma_wait3A_145 = arith.constant 64 : i32
        %dma_wait3A_146 = tpu.memref_slice %arg6[%add3A_91, %dma_wait3A_145] : memref<20x128xi32, #tpu.memory_space<vmem>> -> memref<1x64xi32, #tpu.memory_space<vmem>>
        %dma_wait3A_147 = tpu.memref_squeeze %dma_wait3A_146 : memref<1x64xi32, #tpu.memory_space<vmem>> -> memref<64xi32, #tpu.memory_space<vmem>>
        %dma_wait3A_148 = arith.constant 0 : i32
        %dma_wait3A_149 = arith.constant 0 : i32
        %dma_wait3A_150 = tpu.memref_slice %arg2[%dma_wait3A_148, %dma_wait3A_149] : memref<40000x128xf32, #tpu.memory_space<hbm>> -> memref<40000x128xf32, #tpu.memory_space<hbm>>
        tpu.wait_indirect_dma semaphore(%arg13 : memref<!tpu.dma_semaphore, #tpu.memory_space<semaphore_mem>>) src(%dma_wait3A_150 : memref<40000x128xf32, #tpu.memory_space<hbm>>) dst(%dma_wait3A_144 : memref<64x128xf32, #tpu.memory_space<vmem>>)
        "tpu.region"() ({
          %run_scoped3A = tpu.sem_alloc : memref<!tpu.dma_semaphore, #tpu.memory_space<semaphore_mem>>
          %dma_start3A_151 = arith.constant 0 : i32
          %dma_start3A_152 = tpu.memref_slice %arg7[%add3A_91, %dma_start3A_151] : memref<20x128xi32, #tpu.memory_space<vmem>> -> memref<1x128xi32, #tpu.memory_space<vmem>>
          %dma_start3A_153 = tpu.memref_squeeze %dma_start3A_152 : memref<1x128xi32, #tpu.memory_space<vmem>> -> memref<128xi32, #tpu.memory_space<vmem>>
          %dma_start3A_154 = arith.constant 0 : i32
          %dma_start3A_155 = arith.constant 0 : i32
          %dma_start3A_156 = tpu.memref_slice %arg11[%dma_start3A_154, %dma_start3A_155] : memref<10240x128xf32, #tpu.memory_space<vmem_shared>> -> memref<10240x128xf32, #tpu.memory_space<vmem_shared>>
          tpu.enqueue_indirect_dma source(%arg9 : memref<128x128xf32, #tpu.memory_space<vmem>>) target(%dma_start3A_156 : memref<10240x128xf32, #tpu.memory_space<vmem_shared>>) offsets(%dma_start3A_153 : memref<128xi32, #tpu.memory_space<vmem>>) semaphore(%run_scoped3A : memref<!tpu.dma_semaphore, #tpu.memory_space<semaphore_mem>>) {add = true}
          %dma_wait3A_157 = arith.constant 0 : i32
          %dma_wait3A_158 = tpu.memref_slice %arg7[%add3A_91, %dma_wait3A_157] : memref<20x128xi32, #tpu.memory_space<vmem>> -> memref<1x128xi32, #tpu.memory_space<vmem>>
          %dma_wait3A_159 = tpu.memref_squeeze %dma_wait3A_158 : memref<1x128xi32, #tpu.memory_space<vmem>> -> memref<128xi32, #tpu.memory_space<vmem>>
          %dma_wait3A_160 = arith.constant 0 : i32
          %dma_wait3A_161 = arith.constant 0 : i32
          %dma_wait3A_162 = tpu.memref_slice %arg11[%dma_wait3A_160, %dma_wait3A_161] : memref<10240x128xf32, #tpu.memory_space<vmem_shared>> -> memref<10240x128xf32, #tpu.memory_space<vmem_shared>>
          tpu.wait_indirect_dma semaphore(%run_scoped3A : memref<!tpu.dma_semaphore, #tpu.memory_space<semaphore_mem>>) src(%arg9 : memref<128x128xf32, #tpu.memory_space<vmem>>) dst(%dma_wait3A_162 : memref<10240x128xf32, #tpu.memory_space<vmem_shared>>)
          tpu.yield
        }) : () -> ()
      }
      %scan3A_86 = arith.constant 10 : i32
    }
    %scan3A_45 = arith.constant 4 : i32
    %barrier3A_46 = arith.constant 0 : index
    tpu.barrier barrier_id(%barrier3A_46)
    %mul3A_47 = arith.constant 624 : i32
    %mul3A_48 = arith.muli %arg1, %mul3A_47 : i32
    %mul3A_49 = arith.constant 10000 : i32
    %mul3A_50 = arith.muli %add3A_32, %mul3A_49 : i32
    %add3A_51 = arith.addi %mul3A_50, %mul3A_48 : i32
    "tpu.region"() ({
      %run_scoped3A = tpu.sem_alloc : memref<!tpu.dma_semaphore, #tpu.memory_space<semaphore_mem>>
      %dma_start3A = arith.constant 0 : i32
      %dma_start3A_58 = tpu.memref_slice %arg5[%add3A_51, %dma_start3A] : memref<40000x128xf32, #tpu.memory_space<hbm>> -> memref<624x128xf32, #tpu.memory_space<hbm>>
      %dma_start3A_59 = arith.constant 0 : i32
      %dma_start3A_60 = tpu.memref_slice %arg11[%mul3A_48, %dma_start3A_59] : memref<10240x128xf32, #tpu.memory_space<vmem_shared>> -> memref<624x128xf32, #tpu.memory_space<vmem_shared>>
      tpu.enqueue_dma source(%dma_start3A_60 : memref<624x128xf32, #tpu.memory_space<vmem_shared>>) target(%dma_start3A_58 : memref<624x128xf32, #tpu.memory_space<hbm>>) target_semaphore(%run_scoped3A : memref<!tpu.dma_semaphore, #tpu.memory_space<semaphore_mem>>)
      %dma_wait3A = arith.constant 0 : i32
      %dma_wait3A_61 = tpu.memref_slice %arg5[%add3A_51, %dma_wait3A] : memref<40000x128xf32, #tpu.memory_space<hbm>> -> memref<624x128xf32, #tpu.memory_space<hbm>>
      %dma_wait3A_62 = arith.constant 0 : i32
      %dma_wait3A_63 = tpu.memref_slice %arg11[%mul3A_48, %dma_wait3A_62] : memref<10240x128xf32, #tpu.memory_space<vmem_shared>> -> memref<624x128xf32, #tpu.memory_space<vmem_shared>>
      tpu.wait_dma2 semaphore(%run_scoped3A : memref<!tpu.dma_semaphore, #tpu.memory_space<semaphore_mem>>) src(%dma_wait3A_63 : memref<624x128xf32, #tpu.memory_space<vmem_shared>>) dst(%dma_wait3A_61 : memref<624x128xf32, #tpu.memory_space<hbm>>)
      tpu.yield
    }) : () -> ()
    %eq3A_52 = arith.constant 15 : i32
    %eq3A_53 = arith.cmpi eq, %arg1, %eq3A_52 : i32
    %convert_element_type3A_54 = arith.extui %eq3A_53 : i1 to i32
    %cond3A_55 = arith.constant 0 : i32
    %cond3A_56 = arith.cmpi ne, %convert_element_type3A_54, %cond3A_55 : i32
    scf.if %cond3A_56 {
      %mul3A_58 = arith.constant 10000 : i32
      %mul3A_59 = arith.muli %add3A_32, %mul3A_58 : i32
      %add3A_60 = arith.constant 9984 : i32
      %add3A_61 = arith.addi %mul3A_59, %add3A_60 : i32
      "tpu.region"() ({
        %run_scoped3A = tpu.sem_alloc : memref<!tpu.dma_semaphore, #tpu.memory_space<semaphore_mem>>
        %dma_start3A = arith.constant 0 : i32
        %dma_start3A_62 = tpu.memref_slice %arg5[%add3A_61, %dma_start3A] : memref<40000x128xf32, #tpu.memory_space<hbm>> -> memref<16x128xf32, #tpu.memory_space<hbm>>
        %dma_start3A_63 = arith.constant 9984 : i32
        %dma_start3A_64 = arith.constant 0 : i32
        %dma_start3A_65 = tpu.memref_slice %arg11[%dma_start3A_63, %dma_start3A_64] : memref<10240x128xf32, #tpu.memory_space<vmem_shared>> -> memref<16x128xf32, #tpu.memory_space<vmem_shared>>
        tpu.enqueue_dma source(%dma_start3A_65 : memref<16x128xf32, #tpu.memory_space<vmem_shared>>) target(%dma_start3A_62 : memref<16x128xf32, #tpu.memory_space<hbm>>) target_semaphore(%run_scoped3A : memref<!tpu.dma_semaphore, #tpu.memory_space<semaphore_mem>>)
        %dma_wait3A = arith.constant 0 : i32
        %dma_wait3A_66 = tpu.memref_slice %arg5[%add3A_61, %dma_wait3A] : memref<40000x128xf32, #tpu.memory_space<hbm>> -> memref<16x128xf32, #tpu.memory_space<hbm>>
        %dma_wait3A_67 = arith.constant 9984 : i32
        %dma_wait3A_68 = arith.constant 0 : i32
        %dma_wait3A_69 = tpu.memref_slice %arg11[%dma_wait3A_67, %dma_wait3A_68] : memref<10240x128xf32, #tpu.memory_space<vmem_shared>> -> memref<16x128xf32, #tpu.memory_space<vmem_shared>>
        tpu.wait_dma2 semaphore(%run_scoped3A : memref<!tpu.dma_semaphore, #tpu.memory_space<semaphore_mem>>) src(%dma_wait3A_69 : memref<16x128xf32, #tpu.memory_space<vmem_shared>>) dst(%dma_wait3A_66 : memref<16x128xf32, #tpu.memory_space<hbm>>)
        tpu.yield
      }) : () -> ()
    } else {
    }
    %barrier3A_57 = arith.constant 0 : index
    tpu.barrier barrier_id(%barrier3A_57)
    return
  }
}

</mosaic_0001>

<sc_bundles>
// kernel: _sc_scatter.3.cloned.1.call-start
scs
__scs_entry_jumppad:
0x0: {  	(pc) =	sbr.rel $0x88, $3  }
0x1: {  	(tag) =	ssettag $0x0;
	lr =	simm.s32 $0x1  }
0x2: {  	[smem:$0x3F9E] =	sst lr;
	_ =	strace $0xD0000000  }
0x3: {  	_ = 	snop  }
0x4: {  	_ = 	snop  }
0x5: {  	_ = 	snop  }
0x6: {  	_ = 	snop  }
0x7: {  	_ = 	snop  }
__scs_overlays_trampoline_lowered:
0x8: {  	[smem:$0x3FAD] =	sst s0  }
0x9: {  	[smem:$0x3FAE] =	sst s1  }
0xa: {  	[smem:$0x3FAF] =	sst s2  }
0xb: {  	[smem:$0x3FB0] =	sst s3  }
0xc: {  	[smem:$0x3FB1] =	sst s4  }
0xd: {  	[smem:$0x3FB2] =	sst s5  }
0xe: {  	[smem:$0x3FB3] =	sst s6  }
0xf: {  	[smem:$0x3FB4] =	sst s7  }
0x10: {  	[smem:$0x3FB5] =	sst s8  }
0x11: {  	[smem:$0x3FB6] =	sst s9;
	s0 =	simm.s32 @!p0 $0x0  }
0x12: {  	s1 =	sld [smem:$0x3F9C];
	s0 =	simm.s32 @p0 $0x1  }
0x13: {  	[smem:$0x3FB7] =	sst s0;
	s0 =	simm.s32 @!p1 $0x0  }
0x14: {  	s2 =	sld [smem:$0x3F9B];
	s0 =	simm.s32 @p1 $0x1  }
0x15: {  	[smem:$0x3FB8] =	sst s0;
	s0 =	simm.s32 @!p2 $0x0  }
0x16: {  	s3 =	sld [smem:$0x3FDB];
	s0 =	simm.s32 @p2 $0x1  }
0x17: {  	s4 =	simm.s32 $0x1BF5;
	[smem:$0x3FBA] =	sst s0  }
0x18: {  	s0 =	sld [smem:$0x3F9D];
	_ =	swait.ge [sflag:s4], $0x0  }
0x19: {  	s7 =	sld [smem:$0x3F9E]  }
0x1a: {  	s8 =	sadd.s32 $0xFFFFE003, lr  }
0x1b: {  	s9 =	sadd.s32 $0xFFFFFEF7, lr;
	s5 =	simm.s32 $0xFFFFFFFF;
	p2 =	slt.u32 s8, $0xFFFFF086  }
0x1c: {  	p1 =	slt.u32 s9, $0xF7A;
	s5 =	simm.s32 @!p2 $0x0  }
0x1d: {  	s5 =	simm.s32 @p1 $0x1;
	p0 =	seq.s32 s7, s2  }
0x1e: {  	s7 =	smul.u32 @!p0 $0xF7A, s2;
	p2 =	seq.s32 @!p0 s5, $0x0  }
0x1f: {  	s9 =	smul.u32 $0xF7A, s1;
	s8 =	simm.s32 @!p0 $0x1BF5;
	p2 =	por !p2, p0  }
0x20: {  	[sflag:s8] =	ssyncset.s32 @!p0 $0xFFFFF086;
	s6 =	sadd.s32 @!p0 s3, s7;
	s7 =	simm.s32 @!p0 $0x108  }
0x21: {  	s3 =	sadd.s32 s3, s9;
	s6 =	sadd.s32 @!p0 $0x88, s6;
	s7 =	simm.s32 @p2 $0x1082  }
0x22: {  	[simem:s7], [sflag:s8] =	dma.local @!p0 [hbm:s6], $0xF7A  }
0x23: {  	s9 =	sor.u32 $0xD0000000, s2;
	s6 =	simm.s32 $0x108;
	_ =	swait.ge @!p0 [sflag:s8], $0x0  }
0x24: {  	s3 =	sadd.s32 $0x88, s3;
	s6 =	simm.s32 @!p1 $0x1082;
	[sflag:s4] =	ssyncset.s32 $0xFFFFF086  }
0x25: {  	[simem:s6], [sflag:s4] =	dma.local [hbm:s3], $0xF7A  }
0x26: {  	[smem:$0x3F9E] =	sst s1;
	(tag) =	ssettag s2;
	_ =	strace s9  }
0x27: {  	s1 =	sld [smem:$0x3FAE]  }
0x28: {  	s2 =	sld [smem:$0x3FAF]  }
0x29: {  	s4 =	sld [smem:$0x3FB1]  }
0x2a: {  	p0 =	seq.s32 s5, $0x0;
	s5 =	sld [smem:$0x3FB2]  }
0x2b: {  	s6 =	sld [smem:$0x3FB3]  }
0x2c: {  	s7 =	sld [smem:$0x3FB4]  }
0x2d: {  	s3 =	simm.s32 $0x108;
	s8 =	sld [smem:$0x3FB5]  }
0x2e: {  	s3 =	simm.s32 @!p0 $0x1082;
	s9 =	sld [smem:$0x3FB6]  }
0x2f: {  	lr =	sadd.s32 s0, s3;
	s0 =	sld [smem:$0x3FAD]  }
0x30: {  	s3 =	sld [smem:$0x3FB0]  }
0x31: {  	[smem:$0x3FB9] =	sst s10  }
0x32: {  	s10 =	sld [smem:$0x3FB7];
	_ =	sdelay $0x3  }
0x33: {  	p0 =	seq.s32 s10, $0x1;
	s10 =	sld [smem:$0x3FB9];
	_ =	sdelay $0x3  }
0x34: {  	[smem:$0x3FB9] =	sst s10  }
0x35: {  	s10 =	sld [smem:$0x3FB8];
	_ =	sdelay $0x3  }
0x36: {  	p1 =	seq.s32 s10, $0x1;
	s10 =	sld [smem:$0x3FB9];
	_ =	sdelay $0x3  }
0x37: {  	[smem:$0x3FB9] =	sst s10  }
0x38: {  	s10 =	sld [smem:$0x3FBA]  }
0x39: {  	_ = 	snop;
	(pc) =	sbr.ind lr, $3  }
0x3a: {  	_ = 	snop  }
0x3b: {  	_ = 	snop  }
0x3c: {  	p2 =	seq.s32 s10, $0x1;
	s10 =	sld [smem:$0x3FB9]  }
0x3d: {  	_ =	shalt  }
0x3e: {  	_ =	shalt  }
0x3f: {  	_ =	shalt  }
0x40: {  	_ =	shalt  }
0x41: {  	_ =	shalt  }
0x42: {  	_ =	shalt  }
0x43: {  	_ =	shalt  }
0x44: {  	_ =	shalt  }
0x45: {  	_ =	shalt  }
0x46: {  	_ =	shalt  }
0x47: {  	_ =	shalt  }
0x48: {  	_ =	shalt  }
0x49: {  	_ =	shalt  }
0x4a: {  	_ =	shalt  }
0x4b: {  	_ =	shalt  }
0x4c: {  	_ =	shalt  }
0x4d: {  	_ =	shalt  }
0x4e: {  	_ =	shalt  }
0x4f: {  	_ =	shalt  }
0x50: {  	_ =	shalt  }
0x51: {  	_ =	shalt  }
0x52: {  	_ =	shalt  }
0x53: {  	_ =	shalt  }
0x54: {  	_ =	shalt  }
0x55: {  	_ =	shalt  }
0x56: {  	_ =	shalt  }
0x57: {  	_ =	shalt  }
0x58: {  	_ =	shalt  }
0x59: {  	_ =	shalt  }
0x5a: {  	_ =	shalt  }
0x5b: {  	_ =	shalt  }
0x5c: {  	_ =	shalt  }
0x5d: {  	_ =	shalt  }
0x5e: {  	_ =	shalt  }
0x5f: {  	_ =	shalt  }
0x60: {  	_ =	shalt  }
0x61: {  	_ =	shalt  }
0x62: {  	_ =	shalt  }
0x63: {  	_ =	shalt  }
0x64: {  	_ =	shalt  }
0x65: {  	_ =	shalt  }
0x66: {  	_ =	shalt  }
0x67: {  	_ =	shalt  }
0x68: {  	_ =	shalt  }
0x69: {  	_ =	shalt  }
0x6a: {  	_ =	shalt  }
0x6b: {  	_ =	shalt  }
0x6c: {  	_ =	shalt  }
0x6d: {  	_ =	shalt  }
0x6e: {  	_ =	shalt  }
0x6f: {  	_ =	shalt  }
0x70: {  	_ =	shalt  }
0x71: {  	_ =	shalt  }
0x72: {  	_ =	shalt  }
0x73: {  	_ =	shalt  }
0x74: {  	_ =	shalt  }
0x75: {  	_ =	shalt  }
0x76: {  	_ =	shalt  }
0x77: {  	_ =	shalt  }
0x78: {  	_ =	shalt  }
0x79: {  	_ =	shalt  }
0x7a: {  	_ =	shalt  }
0x7b: {  	_ =	shalt  }
0x7c: {  	_ =	shalt  }
0x7d: {  	_ =	shalt  }
0x7e: {  	_ =	shalt  }
0x7f: {  	_ =	shalt  }
0x80: {  	_ =	shalt  }
0x81: {  	_ =	shalt  }
0x82: {  	_ =	shalt  }
0x83: {  	_ =	shalt  }
0x84: {  	_ =	shalt  }
0x85: {  	_ =	shalt  }
0x86: {  	_ =	shalt  }
0x87: {  	_ =	shalt  }
.Lfunc_end0:
.L_simem_size_0:
called_computation_lowered:
.L_overlay_start_0:
0x88: {  	s2 =	sld [smem:$0x3FD9]  }
0x89: {  	s3 =	sld [smem:$0x3FFE];
	_ =	sdelay $0x1  }
0x8a: {  	s1 =	srdreg.scid  }
0x8b: {  	s0 =	sand.u32 $0x1, s1  }
0x8c: {  	s17 =	sshll.u32 s0, $0xA;
	s2 =	sadd.s32 s3, s2  }
0x8d: {  	s2 =	sadd.s32 s2, s17  }
0x8e: {  	[smem:$0x3FC5] =	sst s2  }
0x8f: {  	_ = 	snop  }
0x90: {  	s2 =	sld [smem:$0x3FC9]  }
0x91: {  	s18 =	sld [smem:$0x3FD0];
	(tm) =	ssettm $0x1  }
0x92: {  	s4 =	sld [smem:$0x3FFB];
	_ =	sdelay $0x3  }
0x93: {  	_ =	strace s4  }
0x94: {  	s4 =	sld [smem:$0x3FFC];
	_ =	sdelay $0x3  }
0x95: {  	_ =	strace s4  }
0x96: {  	s4 =	sld [smem:$0x3FFD];
	_ =	sdelay $0x3  }
0x97: {  	_ =	strace s4  }
0x98: {  	_ =	strace $0x8FFFFFFF  }
0x99: {  	s19 =	sld [smem:$0x3FDB];
	_ =	sdelay $0x1  }
0x9a: {  	s5 =	simm.s32 $_scs_section_size  }
0x9b: {  	s6 =	simm.s32 $_size__tile_overlayer_lowered;
	s7 =	simm.s32 $_tile_overlayer_lowered  }
0x9c: {  	s22 =	simm.s32 $0x1BFF;
	s21 =	sshll.u32 s7, $0x1;
	s4 =	sadd.s32 s5, s19  }
0x9d: {  	s8 =	simm.s32 $0x0;
	s20 =	sshll.u32 s6, $0x1;
	s6 =	sadd.s32 s21, s4  }
0x9e: {  	[timem:s8], [sflag:s22] =	dma.local [hbm:s6], s20  }
0x9f: {  	_ =	swait.ge [sflag:s22], s20  }
0xa0: {  	s5 =	ssub.s32 $0x0, s20;
	[sflag:s22] =	ssyncset.done $0x0  }
0xa1: {  	[sflag:s22] =	ssyncadd.s32 s5;
	_ =	sdelay $0x1  }
0xa2: {  	s23 =	simm.s32 $0x1B8B  }
0xa3: {  	_ =	swait.ge [sflag:s23], $0x1  }
0xa4: {  	[sflag:s23] =	ssyncset.done $0x0  }
0xa5: {  	s25 =	simm.s32 $0x1B8E;
	s24 =	sld [smem:$0x3FFE];
	[sflag:s23] =	ssyncadd.s32 $0xFFFFFFFF  }
0xa6: {  	s26 =	simm.s32 $execute0_lowered;
	[smem:$0x3FD2] =	sst s25  }
0xa7: {  	s6 =	sshll.u32 s26, $0x1;
	_ =	strace $0x80000046;
	[dreg:$0x1] =	wrdreg $0xFFFFFFFF  }
0xa8: {  	s28 =	simm.s32 $_size_execute0_lowered;
	s4 =	sadd.s32 s4, s6;
	[dreg:$0x0] =	wrdreg $0x0  }
0xa9: {  	s6 =	sshll.u32 s28, $0x1;
	[dreg:$0x2] =	wrdreg s4  }
0xaa: {  	[dreg:$0x3] =	wrdreg s6  }
0xab: {  	[dreg:$0x4] =	wrdreg $0xC0  }
0xac: {  	_ =	task [dreg:s8], $0x5FFFF  }
0xad: {  	[dreg:$0x1] =	wrdreg $0xFFFFFFFF  }
0xae: {  	[dreg:$0x0] =	wrdreg $0x60  }
0xaf: {  	[dreg:$0x2] =	wrdreg s2  }
0xb0: {  	[dreg:$0x3] =	wrdreg s24  }
0xb1: {  	[dreg:$0x4] =	wrdreg s18  }
0xb2: {  	[dreg:$0x5] =	wrdreg $0xA0000  }
0xb3: {  	[dreg:$0x6] =	wrdreg $0x9  }
0xb4: {  	_ =	task.clear_ibuf [dreg:s8], $0x7FFFF;
	_ =	strace $0x90000046  }
0xb5: {  	s29 =	simm.s32 $0x9;
	_ =	strace $0x80000048  }
0xb6: {  	_ =	swait.ge [sflag:s29], $0x1  }
0xb7: {  	[sflag:s29] =	ssyncadd.s32 $0xFFFFFFFF  }
0xb8: {  	_ =	strace $0x90000048  }
0xb9: {  	_ =	sfence  }
0xba: {  	s30 =	sld [smem:$0x0];
	_ =	sdelay $0x2  }
0xbb: {  	s31 =	sshll.u32 s1, $0xD;
	s1 =	sshrl.u32 s1, $0x2  }
0xbc: {  	s3 =	sand.u32 $0x4000, s31;
	s1 =	sadd.s32 s1, s30  }
0xbd: {  	s0 =	sor.u32 s3, s0;
	s1 =	sshll.u32 s1, $0x11  }
0xbe: {  	s0 =	sor.u32 s1, s0  }
0xbf: {  	s0 =	sadd.s32 $0x8F2B, s0  }
0xc0: {  	[sflag:s0] =	ssyncadd.remote.s32 $0x1  }
0xc1: {  	_ =	sfence.sel $0xFFFF  }
0xc2: {  	[dreg:$0x0] =	wrdreg $0xFFFFFFFF;
	(pc) =	sbr.abs _section_cstart, $3  }
0xc3: {  	[dreg:$0x1] =	wrdreg $0xFFFFFFFF  }
0xc4: {  	_ =	task.clear_ibuf [dreg:s8], $0x2FFFF;
	_ =	strace $0x9FFFFFFF  }
0xc5: {  	(tm) =	ssettm $0x7FFFFFFF  }
tec
execute0_lowered:
.L_overlay_start_1:
0x0: {  	(tag) =	ssettag $0x1  }
0x1: {  	s1 =	rddreg [dreg:$0x0]  }
0x2: {  	s0 =	rddreg [dreg:$0x1]  }
0x3: {  	s2 =	rddreg [dreg:$0x2]  }
0x4: {  	s4 =	srdreg.scid;
	s3 =	rddreg [dreg:$0x3]  }
0x5: {  	s17 =	stileid.u32;
	s15 =	simm.s32 $0x0;
	s18 =	simm.s32 $0x9800  }
0x6: {  	s28 =	simm.s32 $0x80;
	s29 =	simm.s32 $0x2;
	s30 =	simm.s32 $0x980  }
0x7: {  	s31 =	simm.s32 $0x9C0;
	s10 =	sand.u32 $0x1, s4;
	s8 =	smul.u32 $0x50000, s17  }
0x8: {  	[smem:$0x7FF] =	sst s15;
	s6 =	sadd.s32 $0x6400, s0;
	s11 =	smul.u32 $0x270, s17  }
0x9: {  	s7 =	sadd.s32 $0x400, s0;
	s12 =	smul.u32 $0x4E000, s17;
	s23 =	sadd.s32 $0x138000, s3  }
0xa: {  	p0 =	sne.s32 s17, $0xF;
	s5 =	sshll.u32 s10, $0x5;
	s13 =	smul.u32 $0x4E20, s10  }
0xb: {  	_ =	strace $0x80000047;
	s19 =	ssub.s32 $0x2, s10;
	s14 =	smul.u32 $0x271000, s10  }
0xc: {  	s10 =	sshllo.u32 s10, $0x1;
	[dreg:$0x8] =	wrdreg s23;
	s23 =	simm.s32 $0x3800  }
0xd: {  	s5 =	sor.u32 s17, s5;
	s9 =	sshrl.u32 s19, $0x1;
	s22 =	smul.u32 $0x2710, s10  }
0xe: {  	s8 =	sshrl.u32 s8, $0x2;
	s12 =	sshrl.u32 s12, $0x2;
	s24 =	smul.u32 $0x138800, s10  }
0xf: {  	s10 =	sshll.u32 s10, $0x4;
	s5 =	smul.u32 $0x3000, s5;
	s0 =	ssub.s32 s19, s9  }
0x10: {  	s8 =	sadd.s32 s8, s3;
	s9 =	smul.u32 $0x3000, s17;
	s13 =	sadd.s32 s11, s13  }
0x11: {  	s12 =	sadd.s32 s12, s3;
	s21 =	sshrl.u32 s14, $0x3;
	s10 =	sor.u32 s17, s10  }
0x12: {  	s19 =	simm.s32 $0x3;
	[dreg:$0x6] =	wrdreg s12;
	s20 =	sshll.u32 s13, $0x4  }
0x13: {  	s11 =	sadd.s32 s11, s22;
	s25 =	sshrl.u32 s24, $0x3;
	s14 =	smul.u32 $0x3000, s10  }
0x14: {  	s0 =	smax.u32 s0, $0x1;
	s22 =	simm.s32 $0x1800;
	s24 =	simm.s32 $0x5800  }
0x15: {  	s12 =	sadd.s32 s2, s20;
	s11 =	sshll.u32 s11, $0x4;
	[dreg:$0xc] =	wrdreg s0  }
0x16: {  	s20 =	simm.s32 $0xC00;
	s0 =	simm.s32 $0x1500;
	[dreg:$0x7] =	wrdreg s12  }
0x17: {  	s12 =	sadd.s32 s2, s21;
	s26 =	sadd.s32 s2, s11;
	s2 =	sadd.s32 s2, s25  }
0x18: {  	s21 =	simm.s32 $0x40;
	s12 =	sadd.s32 $0x27000, s12;
	[dreg:$0xa] =	wrdreg s26  }
0x19: {  	s25 =	simm.s32 $0x7800;
	s2 =	sadd.s32 $0x27000, s2;
	[dreg:$0x9] =	wrdreg s12  }
0x1a: {  	v0 =	vimm.f32 $0.0e+00;
	s26 =	simm.s32 $0x1;
	[dreg:$0xb] =	wrdreg s2;
	s2 =	simm.s32 $0x1580  }
.LBB2_1:
0x1b: {  	s10 =	simm.s32 $0x0;
	s11 =	simm.s32 $0x200  }
.LBB2_2:
0x1c: {  	p1 =	sne.s32 s11, $0x1E00;
	[tilespmem:s10+$0x9870] =	vst v0  }
0x1d: {  	[tilespmem:s10+$0x9800] =	vst v0  }
0x1e: {  	[tilespmem:s10+$0x9810] =	vst v0  }
.Ltmp0:
0x1f: {  	[tilespmem:s10+$0x9820] =	vst v0;
	(pc) =	sbr.rel @p1 .LBB2_2-.Ltmp0, $4  }
0x20: {  	[tilespmem:s10+$0x9830] =	vst v0  }
0x21: {  	[tilespmem:s10+$0x9840] =	vst v0  }
0x22: {  	[tilespmem:s10+$0x9850] =	vst v0  }
0x23: {  	[tilespmem:s10+$0x9860] =	vst v0;
	s10 =	sshra.s32 s11, $0x2;
	s11 =	sadd.s32 $0x200, s11  }
0x24: {  	[tilespmem:s10+$0x9870] =	vst v0  }
0x25: {  	[tilespmem:s10+$0x9800] =	vst v0  }
0x26: {  	[tilespmem:s10+$0x9810] =	vst v0  }
0x27: {  	[tilespmem:s10+$0x9820] =	vst v0  }
0x28: {  	[tilespmem:s10+$0x9830] =	vst v0  }
0x29: {  	[tilespmem:s10+$0x9840] =	vst v0  }
0x2a: {  	[tilespmem:s10+$0x9850] =	vst v0  }
0x2b: {  	[dreg:$0x5] =	wrdreg s15;
	[tilespmem:s10+$0x9860] =	vst v0;
	s17 =	sadd.s32 $0x0, s8  }
0x2c: {  	[spmem:s17] =	stream.linear.scatter [tilespmem:s18], [sflag:$0x3], $0x800, $0x38;
	[tilespmem:$0x1E000] =	vst v63  }
0x2d: {  	s10 =	simm.s32 $0x2000;
	_ =	swait.ge [sflag:s19], $0x800  }
.LBB2_4:
0x2e: {  	s11 =	sshra.s32 s10, $0x2;
	[sflag:s19] =	ssyncset.done $0x0;
	p1 =	sne.s32 s10, $0x4E000  }
.Ltmp1:
0x2f: {  	s11 =	sadd.s32 s11, s8;
	[sflag:s19] =	ssyncadd.s32 $0xFFFFF800;
	(pc) =	sbr.rel @p1 .LBB2_4-.Ltmp1, $3  }
0x30: {  	[spmem:s11] =	stream.linear.scatter [tilespmem:s18], [sflag:$0x3], $0x800, $0x38;
	[tilespmem:$0x1E000] =	vst v63  }
0x31: {  	s10 =	sadd.s32 $0x2000, s10;
	_ =	sdelay $0x1  }
0x32: {  	_ =	swait.ge [sflag:s19], $0x800  }
0x33: {  	[sflag:s19] =	ssyncset.done $0x0  }
0x34: {  	[sflag:s19] =	ssyncadd.s32 $0xFFFFF800  }
0x35: {  	s10 =	simm.s32 $0x0;
	s11 =	simm.s32 $0x0;
	[bflag:$0x0] =	sbarrier.arrive $0xFFFF  }
.LBB2_6:
0x36: {  	s12 =	smul.u32 $0xC00, s11;
	_ =	sdelay $0x1  }
0x37: {  	s13 =	sadd.s32 s5, s12  }
0x38: {  	s13 =	sshrl.u32 s13, $0x3  }
0x39: {  	s13 =	sadd.s32 s6, s13  }
0x3a: {  	[tilespmem:s10], [sflag:$0x3] =	stream.linear.gather [hbm4b:s13+s10], $0xA00, $0x38;
	[tilespmem:$0x1E000] =	vst v63  }
0x3b: {  	s12 =	sadd.s32 s9, s12;
	_ =	swait.ge [sflag:s19], $0xA00  }
0x3c: {  	s12 =	sshrl.u32 s12, $0x3;
	[sflag:s19] =	ssyncset.done $0x0  }
0x3d: {  	s12 =	sadd.s32 s7, s12;
	[sflag:s19] =	ssyncadd.s32 $0xFFFFF600  }
0x3e: {  	[tilespmem:s20], [sflag:$0x3] =	stream.linear.gather [hbm4b:s12+s10], $0xA00, $0x38;
	[tilespmem:$0x1E000] =	vst v63  }
0x3f: {  	_ =	swait.ge [sflag:s19], $0xA00  }
0x40: {  	[sflag:s19] =	ssyncset.done $0x0  }
0x41: {  	[sflag:s19] =	ssyncadd.s32 $0xFFFFF600  }
0x42: {  	[tilespmem:s22], [sflag:$0x1] =	stream.indirect.gather [hbm4b:s1+s21], $0x80, s10, s21, $0xb8;
	[tilespmem:$0x1E000] =	vst v63  }
0x43: {  	_ = 	snop  }
0x44: {  	[tilespmem:s23], [sflag:$0x1] =	stream.indirect.gather [hbm4b:s1+s21], $0x80, s21, s21, $0xb8;
	[tilespmem:$0x1E000] =	vst v63  }
0x45: {  	s17 =	simm.s32 $0x80  }
0x46: {  	[tilespmem:s24], [sflag:$0x2] =	stream.indirect.gather [hbm4b:s1+s21], $0x80, s17, s21, $0xb8;
	[tilespmem:$0x1E000] =	vst v63  }
0x47: {  	s4 =	simm.s32 $0xC0  }
0x48: {  	[tilespmem:s25], [sflag:$0x2] =	stream.indirect.gather [hbm4b:s1+s21], $0x80, s4, s21, $0xb8;
	[tilespmem:$0x1E000] =	vst v63  }
0x49: {  	_ =	swait.ge [sflag:s26], $0x2000  }
0x4a: {  	[sflag:s26] =	ssyncset.done $0x0  }
0x4b: {  	[sflag:s26] =	ssyncadd.s32 $0xFFFFE000  }
0x4c: {  	_ =	swait.ge [sflag:s26], $0x2000  }
0x4d: {  	[sflag:s26] =	ssyncset.done $0x0  }
0x4e: {  	s13 =	simm.s32 $0xC00;
	[sflag:s26] =	ssyncadd.s32 $0xFFFFE000  }
0x4f: {  	[spmem:s3] =	stream.indirect.scatter.add.f32 [tilespmem:s22], [sflag:$0x3], $0x80, s13, s28, $0xb8;
	[tilespmem:$0x1E000] =	vst v63  }
0x50: {  	_ =	swait.ge [sflag:s19], $0x4000  }
0x51: {  	[sflag:s19] =	ssyncset.done $0x0  }
0x52: {  	s15 =	simm.s32 $0x100;
	[sflag:s19] =	ssyncadd.s32 $0xFFFFC000  }
0x53: {  	[tilespmem:s22], [sflag:$0x1] =	stream.indirect.gather [hbm4b:s1+s21], $0x80, s15, s21, $0xb8;
	[tilespmem:$0x1E000] =	vst v63  }
0x54: {  	s16 =	simm.s32 $0x140  }
0x55: {  	[tilespmem:s23], [sflag:$0x1] =	stream.indirect.gather [hbm4b:s1+s21], $0x80, s16, s21, $0xb8;
	[tilespmem:$0x1E000] =	vst v63  }
0x56: {  	_ =	swait.ge [sflag:s29], $0x2000  }
0x57: {  	[sflag:s29] =	ssyncset.done $0x0  }
0x58: {  	[sflag:s29] =	ssyncadd.s32 $0xFFFFE000  }
0x59: {  	_ =	swait.ge [sflag:s29], $0x2000  }
0x5a: {  	[sflag:s29] =	ssyncset.done $0x0  }
0x5b: {  	s17 =	simm.s32 $0xC80;
	[sflag:s29] =	ssyncadd.s32 $0xFFFFE000  }
0x5c: {  	[spmem:s3] =	stream.indirect.scatter.add.f32 [tilespmem:s24], [sflag:$0x3], $0x80, s17, s28, $0xb8;
	[tilespmem:$0x1E000] =	vst v63  }
0x5d: {  	_ =	swait.ge [sflag:s19], $0x4000  }
0x5e: {  	s12 =	simm.s32 $0x100;
	s13 =	simm.s32 $0x800;
	[sflag:s19] =	ssyncset.done $0x0  }
.LBB2_7:
0x5f: {  	s15 =	sadd.s32 $0x80, s12  }
0x60: {  	[sflag:s19] =	ssyncadd.s32 $0xFFFFC000;
	s16 =	smov.u32 s13;
	s17 =	sadd.s32 $0x400, s13  }
0x61: {  	[tilespmem:s24], [sflag:$0x2] =	stream.indirect.gather [hbm4b:s1+s21], $0x80, s15, s21, $0xb8;
	[tilespmem:$0x1E000] =	vst v63  }
0x62: {  	p1 =	sne.s32 s13, $0x2000;
	s13 =	sadd.s32 $0xC0, s12  }
0x63: {  	[tilespmem:s25], [sflag:$0x2] =	stream.indirect.gather [hbm4b:s1+s21], $0x80, s13, s21, $0xb8;
	[tilespmem:$0x1E000] =	vst v63  }
0x64: {  	_ =	swait.ge [sflag:s26], $0x2000  }
0x65: {  	[sflag:s26] =	ssyncset.done $0x0  }
0x66: {  	[sflag:s26] =	ssyncadd.s32 $0xFFFFE000  }
0x67: {  	_ =	swait.ge [sflag:s26], $0x2000  }
0x68: {  	[sflag:s26] =	ssyncset.done $0x0  }
0x69: {  	s13 =	sadd.s32 $0xC00, s12;
	[sflag:s26] =	ssyncadd.s32 $0xFFFFE000  }
0x6a: {  	[spmem:s3] =	stream.indirect.scatter.add.f32 [tilespmem:s22], [sflag:$0x3], $0x80, s13, s28, $0xb8;
	[tilespmem:$0x1E000] =	vst v63  }
0x6b: {  	_ =	swait.ge [sflag:s19], $0x4000  }
0x6c: {  	[sflag:s19] =	ssyncset.done $0x0  }
0x6d: {  	s13 =	sadd.s32 $0x100, s12;
	[sflag:s19] =	ssyncadd.s32 $0xFFFFC000  }
0x6e: {  	[tilespmem:s22], [sflag:$0x1] =	stream.indirect.gather [hbm4b:s1+s21], $0x80, s13, s21, $0xb8;
	[tilespmem:$0x1E000] =	vst v63  }
0x6f: {  	s13 =	sadd.s32 $0x140, s12  }
0x70: {  	[tilespmem:s23], [sflag:$0x1] =	stream.indirect.gather [hbm4b:s1+s21], $0x80, s13, s21, $0xb8;
	[tilespmem:$0x1E000] =	vst v63  }
0x71: {  	_ =	swait.ge [sflag:s29], $0x2000  }
0x72: {  	[sflag:s29] =	ssyncset.done $0x0  }
0x73: {  	[sflag:s29] =	ssyncadd.s32 $0xFFFFE000  }
0x74: {  	_ =	swait.ge [sflag:s29], $0x2000  }
.Ltmp2:
0x75: {  	[sflag:s29] =	ssyncset.done $0x0;
	(pc) =	sbr.rel @p1 .LBB2_7-.Ltmp2, $4  }
0x76: {  	s12 =	sadd.s32 $0xC80, s12;
	[sflag:s29] =	ssyncadd.s32 $0xFFFFE000  }
0x77: {  	[spmem:s3] =	stream.indirect.scatter.add.f32 [tilespmem:s24], [sflag:$0x3], $0x80, s12, s28, $0xb8;
	[tilespmem:$0x1E000] =	vst v63  }
0x78: {  	_ =	swait.ge [sflag:s19], $0x4000  }
0x79: {  	s13 =	smov.u32 s17;
	s12 =	sshra.s32 s16, $0x2;
	[sflag:s19] =	ssyncset.done $0x0  }
0x7a: {  	s13 =	sadd.s32 $0x80, s12;
	[sflag:s19] =	ssyncadd.s32 $0xFFFFC000  }
0x7b: {  	[tilespmem:s24], [sflag:$0x2] =	stream.indirect.gather [hbm4b:s1+s21], $0x80, s13, s21, $0xb8;
	[tilespmem:$0x1E000] =	vst v63  }
0x7c: {  	s17 =	sadd.s32 $0xC0, s12  }
0x7d: {  	[tilespmem:s25], [sflag:$0x2] =	stream.indirect.gather [hbm4b:s1+s21], $0x80, s17, s21, $0xb8;
	[tilespmem:$0x1E000] =	vst v63  }
0x7e: {  	_ =	swait.ge [sflag:s26], $0x2000  }
0x7f: {  	[sflag:s26] =	ssyncset.done $0x0  }
0x80: {  	[sflag:s26] =	ssyncadd.s32 $0xFFFFE000  }
0x81: {  	_ =	swait.ge [sflag:s26], $0x2000  }
0x82: {  	[sflag:s26] =	ssyncset.done $0x0  }
0x83: {  	s4 =	sadd.s32 $0xC00, s12;
	[sflag:s26] =	ssyncadd.s32 $0xFFFFE000  }
0x84: {  	[spmem:s3] =	stream.indirect.scatter.add.f32 [tilespmem:s22], [sflag:$0x3], $0x80, s4, s28, $0xb8;
	[tilespmem:$0x1E000] =	vst v63  }
0x85: {  	_ =	swait.ge [sflag:s19], $0x4000  }
0x86: {  	[sflag:s19] =	ssyncset.done $0x0  }
0x87: {  	s15 =	sadd.s32 $0x100, s12;
	[sflag:s19] =	ssyncadd.s32 $0xFFFFC000  }
0x88: {  	[tilespmem:s22], [sflag:$0x1] =	stream.indirect.gather [hbm4b:s1+s21], $0x80, s15, s21, $0xb8;
	[tilespmem:$0x1E000] =	vst v63  }
0x89: {  	s16 =	sadd.s32 $0x140, s12  }
0x8a: {  	[tilespmem:s23], [sflag:$0x1] =	stream.indirect.gather [hbm4b:s1+s21], $0x80, s16, s21, $0xb8;
	[tilespmem:$0x1E000] =	vst v63  }
0x8b: {  	_ =	swait.ge [sflag:s29], $0x2000  }
0x8c: {  	[sflag:s29] =	ssyncset.done $0x0  }
0x8d: {  	[sflag:s29] =	ssyncadd.s32 $0xFFFFE000  }
0x8e: {  	_ =	swait.ge [sflag:s29], $0x2000  }
0x8f: {  	[sflag:s29] =	ssyncset.done $0x0  }
0x90: {  	s17 =	sadd.s32 $0xC80, s12;
	[sflag:s29] =	ssyncadd.s32 $0xFFFFE000  }
0x91: {  	[spmem:s3] =	stream.indirect.scatter.add.f32 [tilespmem:s24], [sflag:$0x3], $0x80, s17, s28, $0xb8;
	[tilespmem:$0x1E000] =	vst v63  }
0x92: {  	_ =	swait.ge [sflag:s19], $0x4000  }
0x93: {  	[sflag:s19] =	ssyncset.done $0x0  }
0x94: {  	[sflag:s19] =	ssyncadd.s32 $0xFFFFC000  }
0x95: {  	[tilespmem:s24], [sflag:$0x2] =	stream.indirect.gather [hbm4b:s1+s21], $0x80, s30, s21, $0xb8;
	[tilespmem:$0x1E000] =	vst v63  }
0x96: {  	_ = 	snop  }
0x97: {  	[tilespmem:s25], [sflag:$0x2] =	stream.indirect.gather [hbm4b:s1+s21], $0x80, s31, s21, $0xb8;
	[tilespmem:$0x1E000] =	vst v63  }
0x98: {  	_ =	swait.ge [sflag:s26], $0x2000  }
0x99: {  	[sflag:s26] =	ssyncset.done $0x0  }
0x9a: {  	[sflag:s26] =	ssyncadd.s32 $0xFFFFE000  }
0x9b: {  	_ =	swait.ge [sflag:s26], $0x2000  }
0x9c: {  	[sflag:s26] =	ssyncset.done $0x0  }
0x9d: {  	[sflag:s26] =	ssyncadd.s32 $0xFFFFE000  }
0x9e: {  	[spmem:s3] =	stream.indirect.scatter.add.f32 [tilespmem:s22], [sflag:$0x3], $0x80, s0, s28, $0xb8;
	[tilespmem:$0x1E000] =	vst v63  }
0x9f: {  	_ =	swait.ge [sflag:s19], $0x4000  }
0xa0: {  	[sflag:s19] =	ssyncset.done $0x0  }
0xa1: {  	[sflag:s19] =	ssyncadd.s32 $0xFFFFC000  }
0xa2: {  	_ =	swait.ge [sflag:s29], $0x2000  }
0xa3: {  	[sflag:s29] =	ssyncset.done $0x0  }
0xa4: {  	[sflag:s29] =	ssyncadd.s32 $0xFFFFE000  }
0xa5: {  	s11 =	sadd.s32 $0x1, s11;
	_ =	swait.ge [sflag:s29], $0x2000  }
0xa6: {  	p1 =	sne.s32 s11, $0x4;
	[sflag:s29] =	ssyncset.done $0x0  }
.Ltmp3:
0xa7: {  	[sflag:s29] =	ssyncadd.s32 $0xFFFFE000;
	(pc) =	sbr.rel @p1 .LBB2_6-.Ltmp3, $4  }
0xa8: {  	[spmem:s3] =	stream.indirect.scatter.add.f32 [tilespmem:s24], [sflag:$0x3], $0x80, s2, s28, $0xb8;
	[tilespmem:$0x1E000] =	vst v63  }
0xa9: {  	_ =	swait.ge [sflag:s19], $0x4000  }
0xaa: {  	[sflag:s19] =	ssyncset.done $0x0  }
0xab: {  	[sflag:s19] =	ssyncadd.s32 $0xFFFFC000  }
0xac: {  	[bflag:$0x0] =	sbarrier.arrive $0xFFFF  }
0xad: {  	s4 =	stileid.u32;
	s15 =	rddreg [dreg:$0x6]  }
0xae: {  	s10 =	sshll.u32 s4, $0x6;
	s16 =	rddreg [dreg:$0x7];
	s11 =	sshrl.u32 s15, $0x3  }
0xaf: {  	s10 =	sor.u32 $0x1C03, s10;
	[dreg:$0xd] =	wrdreg s11  }
0xb0: {  	[hbm:s16], [sflag:s10] =	dma.local [spmem:s11], $0x2700  }
0xb1: {  	_ =	swait.ge [sflag:s19], $0x2700  }
0xb2: {  	s4 =	rddreg [dreg:$0x8]  }
0xb3: {  	[sflag:s19] =	ssyncset.done $0x0;
	s11 =	sshrl.u32 @!p0 s4, $0x3;
	s4 =	rddreg [dreg:$0x9]  }
0xb4: {  	s13 =	simm.s32 @!p0 $0x3;
	[sflag:s19] =	ssyncadd.s32 $0xFFFFD900;
	[dreg:$0xe] =	wrdreg s11  }
0xb5: {  	[hbm:s4], [sflag:s10] =	dma.local @!p0 [spmem:s11], $0x100  }
0xb6: {  	_ =	swait.ge @!p0 [sflag:s13], $0x100  }
0xb7: {  	[sflag:s13] =	ssyncset.done @!p0 $0x0  }
0xb8: {  	[sflag:s13] =	ssyncadd.s32 @!p0 $0xFFFFFF00  }
0xb9: {  	s17 =	sadd.s32 $0x0, s8;
	[bflag:$0x0] =	sbarrier.arrive $0xFFFF  }
0xba: {  	[spmem:s17] =	stream.linear.scatter [tilespmem:s18], [sflag:$0x3], $0x800, $0x38;
	[tilespmem:$0x1E000] =	vst v63  }
0xbb: {  	s13 =	simm.s32 $0x2000;
	_ =	swait.ge [sflag:s19], $0x800  }
.LBB2_10:
0xbc: {  	s15 =	sshra.s32 s13, $0x2;
	[sflag:s19] =	ssyncset.done $0x0;
	p1 =	sne.s32 s13, $0x4E000  }
.Ltmp4:
0xbd: {  	s15 =	sadd.s32 s15, s8;
	[sflag:s19] =	ssyncadd.s32 $0xFFFFF800;
	(pc) =	sbr.rel @p1 .LBB2_10-.Ltmp4, $3  }
0xbe: {  	[spmem:s15] =	stream.linear.scatter [tilespmem:s18], [sflag:$0x3], $0x800, $0x38;
	[tilespmem:$0x1E000] =	vst v63  }
0xbf: {  	s13 =	sadd.s32 $0x2000, s13;
	_ =	sdelay $0x1  }
0xc0: {  	_ =	swait.ge [sflag:s19], $0x800  }
0xc1: {  	[sflag:s19] =	ssyncset.done $0x0  }
0xc2: {  	[sflag:s19] =	ssyncadd.s32 $0xFFFFF800  }
0xc3: {  	s13 =	simm.s32 $0x0;
	s15 =	simm.s32 $0x0;
	[bflag:$0x0] =	sbarrier.arrive $0xFFFF  }
.LBB2_12:
0xc4: {  	s16 =	smul.u32 $0xC00, s15;
	_ =	sdelay $0x1  }
0xc5: {  	s17 =	sadd.s32 s14, s16  }
0xc6: {  	s17 =	sshrl.u32 s17, $0x3  }
0xc7: {  	s17 =	sadd.s32 s6, s17  }
0xc8: {  	[tilespmem:s13], [sflag:$0x3] =	stream.linear.gather [hbm4b:s17+s13], $0xA00, $0x38;
	[tilespmem:$0x1E000] =	vst v63  }
0xc9: {  	s16 =	sadd.s32 s9, s16;
	_ =	swait.ge [sflag:s19], $0xA00  }
0xca: {  	s16 =	sshrl.u32 s16, $0x3;
	[sflag:s19] =	ssyncset.done $0x0  }
0xcb: {  	s16 =	sadd.s32 s7, s16;
	[sflag:s19] =	ssyncadd.s32 $0xFFFFF600  }
0xcc: {  	[tilespmem:s20], [sflag:$0x3] =	stream.linear.gather [hbm4b:s16+s13], $0xA00, $0x38;
	[tilespmem:$0x1E000] =	vst v63  }
0xcd: {  	_ =	swait.ge [sflag:s19], $0xA00  }
0xce: {  	[sflag:s19] =	ssyncset.done $0x0  }
0xcf: {  	[sflag:s19] =	ssyncadd.s32 $0xFFFFF600  }
0xd0: {  	[tilespmem:s22], [sflag:$0x1] =	stream.indirect.gather [hbm4b:s1+s21], $0x80, s13, s21, $0xb8;
	[tilespmem:$0x1E000] =	vst v63  }
0xd1: {  	_ = 	snop  }
0xd2: {  	[tilespmem:s23], [sflag:$0x1] =	stream.indirect.gather [hbm4b:s1+s21], $0x80, s21, s21, $0xb8;
	[tilespmem:$0x1E000] =	vst v63  }
0xd3: {  	s12 =	simm.s32 $0x80  }
0xd4: {  	[tilespmem:s24], [sflag:$0x2] =	stream.indirect.gather [hbm4b:s1+s21], $0x80, s12, s21, $0xb8;
	[tilespmem:$0x1E000] =	vst v63  }
0xd5: {  	s17 =	simm.s32 $0xC0  }
0xd6: {  	[tilespmem:s25], [sflag:$0x2] =	stream.indirect.gather [hbm4b:s1+s21], $0x80, s17, s21, $0xb8;
	[tilespmem:$0x1E000] =	vst v63  }
0xd7: {  	_ =	swait.ge [sflag:s26], $0x2000  }
0xd8: {  	[sflag:s26] =	ssyncset.done $0x0  }
0xd9: {  	[sflag:s26] =	ssyncadd.s32 $0xFFFFE000  }
0xda: {  	_ =	swait.ge [sflag:s26], $0x2000  }
0xdb: {  	[sflag:s26] =	ssyncset.done $0x0  }
0xdc: {  	s4 =	simm.s32 $0xC00;
	[sflag:s26] =	ssyncadd.s32 $0xFFFFE000  }
0xdd: {  	[spmem:s3] =	stream.indirect.scatter.add.f32 [tilespmem:s22], [sflag:$0x3], $0x80, s4, s28, $0xb8;
	[tilespmem:$0x1E000] =	vst v63  }
0xde: {  	_ =	swait.ge [sflag:s19], $0x4000  }
0xdf: {  	[sflag:s19] =	ssyncset.done $0x0  }
0xe0: {  	s11 =	simm.s32 $0x100;
	[sflag:s19] =	ssyncadd.s32 $0xFFFFC000  }
0xe1: {  	[tilespmem:s22], [sflag:$0x1] =	stream.indirect.gather [hbm4b:s1+s21], $0x80, s11, s21, $0xb8;
	[tilespmem:$0x1E000] =	vst v63  }
0xe2: {  	s12 =	simm.s32 $0x140  }
0xe3: {  	[tilespmem:s23], [sflag:$0x1] =	stream.indirect.gather [hbm4b:s1+s21], $0x80, s12, s21, $0xb8;
	[tilespmem:$0x1E000] =	vst v63  }
0xe4: {  	_ =	swait.ge [sflag:s29], $0x2000  }
0xe5: {  	[sflag:s29] =	ssyncset.done $0x0  }
0xe6: {  	[sflag:s29] =	ssyncadd.s32 $0xFFFFE000  }
0xe7: {  	_ =	swait.ge [sflag:s29], $0x2000  }
0xe8: {  	[sflag:s29] =	ssyncset.done $0x0  }
0xe9: {  	s17 =	simm.s32 $0xC80;
	[sflag:s29] =	ssyncadd.s32 $0xFFFFE000  }
0xea: {  	[spmem:s3] =	stream.indirect.scatter.add.f32 [tilespmem:s24], [sflag:$0x3], $0x80, s17, s28, $0xb8;
	[tilespmem:$0x1E000] =	vst v63  }
0xeb: {  	_ =	swait.ge [sflag:s19], $0x4000  }
0xec: {  	s16 =	simm.s32 $0x100;
	s17 =	simm.s32 $0x800;
	[sflag:s19] =	ssyncset.done $0x0  }
.LBB2_13:
0xed: {  	s11 =	sadd.s32 $0x80, s16  }
0xee: {  	[sflag:s19] =	ssyncadd.s32 $0xFFFFC000;
	s12 =	smov.u32 s17;
	s4 =	sadd.s32 $0x400, s17  }
0xef: {  	[tilespmem:s24], [sflag:$0x2] =	stream.indirect.gather [hbm4b:s1+s21], $0x80, s11, s21, $0xb8;
	[tilespmem:$0x1E000] =	vst v63  }
0xf0: {  	p1 =	sne.s32 s17, $0x2000;
	s11 =	sadd.s32 $0xC0, s16  }
0xf1: {  	[tilespmem:s25], [sflag:$0x2] =	stream.indirect.gather [hbm4b:s1+s21], $0x80, s11, s21, $0xb8;
	[tilespmem:$0x1E000] =	vst v63  }
0xf2: {  	_ =	swait.ge [sflag:s26], $0x2000  }
0xf3: {  	[sflag:s26] =	ssyncset.done $0x0  }
0xf4: {  	[sflag:s26] =	ssyncadd.s32 $0xFFFFE000  }
0xf5: {  	_ =	swait.ge [sflag:s26], $0x2000  }
0xf6: {  	[sflag:s26] =	ssyncset.done $0x0  }
0xf7: {  	s11 =	sadd.s32 $0xC00, s16;
	[sflag:s26] =	ssyncadd.s32 $0xFFFFE000  }
0xf8: {  	[spmem:s3] =	stream.indirect.scatter.add.f32 [tilespmem:s22], [sflag:$0x3], $0x80, s11, s28, $0xb8;
	[tilespmem:$0x1E000] =	vst v63  }
0xf9: {  	_ =	swait.ge [sflag:s19], $0x4000  }
0xfa: {  	[sflag:s19] =	ssyncset.done $0x0  }
0xfb: {  	s11 =	sadd.s32 $0x100, s16;
	[sflag:s19] =	ssyncadd.s32 $0xFFFFC000  }
0xfc: {  	[tilespmem:s22], [sflag:$0x1] =	stream.indirect.gather [hbm4b:s1+s21], $0x80, s11, s21, $0xb8;
	[tilespmem:$0x1E000] =	vst v63  }
0xfd: {  	s11 =	sadd.s32 $0x140, s16  }
0xfe: {  	[tilespmem:s23], [sflag:$0x1] =	stream.indirect.gather [hbm4b:s1+s21], $0x80, s11, s21, $0xb8;
	[tilespmem:$0x1E000] =	vst v63  }
0xff: {  	_ =	swait.ge [sflag:s29], $0x2000  }
0x100: {  	[sflag:s29] =	ssyncset.done $0x0  }
0x101: {  	[sflag:s29] =	ssyncadd.s32 $0xFFFFE000  }
0x102: {  	_ =	swait.ge [sflag:s29], $0x2000  }
.Ltmp5:
0x103: {  	[sflag:s29] =	ssyncset.done $0x0;
	(pc) =	sbr.rel @p1 .LBB2_13-.Ltmp5, $4  }
0x104: {  	s11 =	sadd.s32 $0xC80, s16;
	[sflag:s29] =	ssyncadd.s32 $0xFFFFE000  }
0x105: {  	[spmem:s3] =	stream.indirect.scatter.add.f32 [tilespmem:s24], [sflag:$0x3], $0x80, s11, s28, $0xb8;
	[tilespmem:$0x1E000] =	vst v63  }
0x106: {  	_ =	swait.ge [sflag:s19], $0x4000  }
0x107: {  	s17 =	smov.u32 s4;
	s16 =	sshra.s32 s12, $0x2;
	[sflag:s19] =	ssyncset.done $0x0  }
0x108: {  	s4 =	sadd.s32 $0x80, s16;
	[sflag:s19] =	ssyncadd.s32 $0xFFFFC000  }
0x109: {  	[tilespmem:s24], [sflag:$0x2] =	stream.indirect.gather [hbm4b:s1+s21], $0x80, s4, s21, $0xb8;
	[tilespmem:$0x1E000] =	vst v63  }
0x10a: {  	s12 =	sadd.s32 $0xC0, s16  }
0x10b: {  	[tilespmem:s25], [sflag:$0x2] =	stream.indirect.gather [hbm4b:s1+s21], $0x80, s12, s21, $0xb8;
	[tilespmem:$0x1E000] =	vst v63  }
0x10c: {  	_ =	swait.ge [sflag:s26], $0x2000  }
0x10d: {  	[sflag:s26] =	ssyncset.done $0x0  }
0x10e: {  	[sflag:s26] =	ssyncadd.s32 $0xFFFFE000  }
0x10f: {  	_ =	swait.ge [sflag:s26], $0x2000  }
0x110: {  	[sflag:s26] =	ssyncset.done $0x0  }
0x111: {  	s17 =	sadd.s32 $0xC00, s16;
	[sflag:s26] =	ssyncadd.s32 $0xFFFFE000  }
0x112: {  	[spmem:s3] =	stream.indirect.scatter.add.f32 [tilespmem:s22], [sflag:$0x3], $0x80, s17, s28, $0xb8;
	[tilespmem:$0x1E000] =	vst v63  }
0x113: {  	_ =	swait.ge [sflag:s19], $0x4000  }
0x114: {  	[sflag:s19] =	ssyncset.done $0x0  }
0x115: {  	s11 =	sadd.s32 $0x100, s16;
	[sflag:s19] =	ssyncadd.s32 $0xFFFFC000  }
0x116: {  	[tilespmem:s22], [sflag:$0x1] =	stream.indirect.gather [hbm4b:s1+s21], $0x80, s11, s21, $0xb8;
	[tilespmem:$0x1E000] =	vst v63  }
0x117: {  	s12 =	sadd.s32 $0x140, s16  }
0x118: {  	[tilespmem:s23], [sflag:$0x1] =	stream.indirect.gather [hbm4b:s1+s21], $0x80, s12, s21, $0xb8;
	[tilespmem:$0x1E000] =	vst v63  }
0x119: {  	_ =	swait.ge [sflag:s29], $0x2000  }
0x11a: {  	[sflag:s29] =	ssyncset.done $0x0  }
0x11b: {  	[sflag:s29] =	ssyncadd.s32 $0xFFFFE000  }
0x11c: {  	_ =	swait.ge [sflag:s29], $0x2000  }
0x11d: {  	[sflag:s29] =	ssyncset.done $0x0  }
0x11e: {  	s17 =	sadd.s32 $0xC80, s16;
	[sflag:s29] =	ssyncadd.s32 $0xFFFFE000  }
0x11f: {  	[spmem:s3] =	stream.indirect.scatter.add.f32 [tilespmem:s24], [sflag:$0x3], $0x80, s17, s28, $0xb8;
	[tilespmem:$0x1E000] =	vst v63  }
0x120: {  	_ =	swait.ge [sflag:s19], $0x4000  }
0x121: {  	[sflag:s19] =	ssyncset.done $0x0  }
0x122: {  	[sflag:s19] =	ssyncadd.s32 $0xFFFFC000  }
0x123: {  	[tilespmem:s24], [sflag:$0x2] =	stream.indirect.gather [hbm4b:s1+s21], $0x80, s30, s21, $0xb8;
	[tilespmem:$0x1E000] =	vst v63  }
0x124: {  	_ = 	snop  }
0x125: {  	[tilespmem:s25], [sflag:$0x2] =	stream.indirect.gather [hbm4b:s1+s21], $0x80, s31, s21, $0xb8;
	[tilespmem:$0x1E000] =	vst v63  }
0x126: {  	_ =	swait.ge [sflag:s26], $0x2000  }
0x127: {  	[sflag:s26] =	ssyncset.done $0x0  }
0x128: {  	[sflag:s26] =	ssyncadd.s32 $0xFFFFE000  }
0x129: {  	_ =	swait.ge [sflag:s26], $0x2000  }
0x12a: {  	[sflag:s26] =	ssyncset.done $0x0  }
0x12b: {  	[sflag:s26] =	ssyncadd.s32 $0xFFFFE000  }
0x12c: {  	[spmem:s3] =	stream.indirect.scatter.add.f32 [tilespmem:s22], [sflag:$0x3], $0x80, s0, s28, $0xb8;
	[tilespmem:$0x1E000] =	vst v63  }
0x12d: {  	_ =	swait.ge [sflag:s19], $0x4000  }
0x12e: {  	[sflag:s19] =	ssyncset.done $0x0  }
0x12f: {  	[sflag:s19] =	ssyncadd.s32 $0xFFFFC000  }
0x130: {  	_ =	swait.ge [sflag:s29], $0x2000  }
0x131: {  	[sflag:s29] =	ssyncset.done $0x0  }
0x132: {  	[sflag:s29] =	ssyncadd.s32 $0xFFFFE000  }
0x133: {  	s15 =	sadd.s32 $0x1, s15;
	_ =	swait.ge [sflag:s29], $0x2000  }
0x134: {  	p1 =	sne.s32 s15, $0x4;
	[sflag:s29] =	ssyncset.done $0x0  }
.Ltmp6:
0x135: {  	[sflag:s29] =	ssyncadd.s32 $0xFFFFE000;
	(pc) =	sbr.rel @p1 .LBB2_12-.Ltmp6, $4  }
0x136: {  	[spmem:s3] =	stream.indirect.scatter.add.f32 [tilespmem:s24], [sflag:$0x3], $0x80, s2, s28, $0xb8;
	[tilespmem:$0x1E000] =	vst v63  }
0x137: {  	_ =	swait.ge [sflag:s19], $0x4000  }
0x138: {  	[sflag:s19] =	ssyncset.done $0x0  }
0x139: {  	[sflag:s19] =	ssyncadd.s32 $0xFFFFC000  }
0x13a: {  	[bflag:$0x0] =	sbarrier.arrive $0xFFFF  }
0x13b: {  	s4 =	rddreg [dreg:$0xa]  }
0x13c: {  	s11 =	rddreg [dreg:$0xd]  }
0x13d: {  	[hbm:s4], [sflag:s10] =	dma.local [spmem:s11], $0x2700  }
0x13e: {  	_ =	swait.ge [sflag:s19], $0x2700  }
0x13f: {  	[sflag:s19] =	ssyncset.done $0x0;
	s4 =	rddreg [dreg:$0xb]  }
0x140: {  	s11 =	rddreg [dreg:$0xe];
	[sflag:s19] =	ssyncadd.s32 $0xFFFFD900  }
0x141: {  	[hbm:s4], [sflag:s10] =	dma.local @!p0 [spmem:s11], $0x100  }
0x142: {  	s4 =	simm.s32 @!p0 $0x3  }
0x143: {  	_ =	swait.ge @!p0 [sflag:s4], $0x100  }
0x144: {  	s15 =	rddreg [dreg:$0x5]  }
0x145: {  	s17 =	rddreg [dreg:$0xc];
	s15 =	sadd.s32 $0x1, s15  }
0x146: {  	p1 =	sne.s32 s15, s17  }
.Ltmp7:
0x147: {  	_ = 	snop;
	(pc) =	sbr.rel @p1 .LBB2_1-.Ltmp7, $3  }
0x148: {  	[sflag:s4] =	ssyncset.done @!p0 $0x0  }
0x149: {  	[sflag:s4] =	ssyncadd.s32 @!p0 $0xFFFFFF00  }
0x14a: {  	[bflag:$0x0] =	sbarrier.arrive $0xFFFF;
	_ =	sdelay $0x1  }
0x14b: {  	_ =	sfence.sel $0x180000  }
0x14c: {  	[bflag:$0x0] =	sbarrier.arrive $0xFFFF  }
0x14d: {  	_ =	strace $0x90000047  }
0x14e: {  	s0 =	stileid.u32;
	[bflag:$0x2] =	sbarrier.arrive $0xFFFF  }
0x14f: {  	p0 =	sne.s32 s0, $0x0;
	s0 =	rddreg [dreg:$0x4]  }
0x150: {  	s0 =	sadd.s32 @!p0 $0x100000, s0  }
0x151: {  	[sflag:s0] =	ssyncadd.tile.s32 @!p0 $0x1;
	_ =	shalt  }
.Lfunc_end2:
_tile_overlayer_lowered:
.L_overlay_start_2:
0x152: {  	(tag) =	ssettag $0x2  }
0x153: {  	s0 =	rddreg [dreg:$0x0];
	s2 =	stileid.u32  }
0x154: {  	s1 =	rddreg [dreg:$0x1];
	p0 =	sne.s32 s2, $0x0  }
0x155: {  	s3 =	rddreg [dreg:$0x2];
	[bflag:$0x3] =	sbarrier.arrive $0xFFFF;
	s2 =	simm.s32 @!p0 $0x1C03  }
0x156: {  	[timem:s3], [sflag:s2] =	dma.local @!p0 [hbm:s0], s1  }
0x157: {  	s0 =	simm.s32 @!p0 $0x3  }
0x158: {  	_ =	swait.ge @!p0 [sflag:s0], s1  }
0x159: {  	s1 =	ssub.s32 @!p0 $0x0, s1;
	[sflag:s0] =	ssyncset.done @!p0 $0x0  }
0x15a: {  	[sflag:s0] =	ssyncadd.s32 @!p0 s1  }
0x15b: {  	[bflag:$0x3] =	sbarrier.arrive $0xFFFF  }
0x15c: {  	_ =	shalt  }

</sc_bundles>
